<compile_context>
chip_gen: v7x
topology: tpu7x:2x2x1
jax: 0.10.2.dev20260603
libtpu: 0.0.44.dev20260713+nightly
codegen_flags: <defaults>
</compile_context>

<pallas_src>
import functools

import jax
import jax.numpy as jnp
from jax import lax
from jax.experimental import pallas as pl
from jax.experimental.pallas import tpu as pltpu
from jax.experimental.pallas import tpu_sc as plsc

_NUM_WORDS = 1000000
_D = 64
_B = 4096
_L = 50
_TOTAL = _B * _L
_NC = 2
_NS = 16
_NW = _NC * _NS
_PER_W = _TOTAL // _NW
_STEP = 128
_NSTREAM = _PER_W // _STEP
_RING = 10
_NOUTER = _NSTREAM // _RING


@functools.partial(
    pl.kernel,
    mesh=plsc.VectorSubcoreMesh(core_axis_name="c", subcore_axis_name="s"),
    out_type=jax.ShapeDtypeStruct((_TOTAL, _D), jnp.float32),
    scratch_types=[
        pltpu.VMEM((_PER_W,), jnp.int32),
        pltpu.VMEM((_RING, _STEP, _D), jnp.float32),
        [pltpu.SemaphoreType.DMA] * _RING,
        [pltpu.SemaphoreType.DMA] * _RING,
    ],
    compiler_params=pltpu.CompilerParams(use_tc_tiling_on_sc=False),
)
def _emb_gather(idx_hbm, table_hbm, out_hbm, idx_v, bufs, gsems, wsems):
    wid = lax.axis_index("s") * _NC + lax.axis_index("c")
    base = wid * _PER_W
    pltpu.sync_copy(idx_hbm.at[pl.ds(base, _PER_W)], idx_v)

    def fire_gather(s, i):
        pltpu.async_copy(
            table_hbm.at[idx_v.at[pl.ds(s * _STEP, _STEP)]],
            bufs.at[i],
            gsems[i],
        )

    for i in range(_RING):
        fire_gather(i, i)

    def outer_body(k, carry):
        for i in range(_RING):
            s = k * _RING + i
            pltpu.make_async_copy(
                table_hbm.at[idx_v.at[pl.ds(s * _STEP, _STEP)]],
                bufs.at[i],
                gsems[i],
            ).wait()
            wcp = pltpu.async_copy(
                bufs.at[i],
                out_hbm.at[pl.ds(base + s * _STEP, _STEP)],
                wsems[i],
            )

            @pl.when(k < _NOUTER - 1)
            def _():
                wcp.wait()
                fire_gather(s + _RING, i)

        return carry

    lax.fori_loop(0, _NOUTER, outer_body, 0)

    for i in range(_RING):
        s = (_NOUTER - 1) * _RING + i
        pltpu.make_async_copy(
            bufs.at[i],
            out_hbm.at[pl.ds(base + s * _STEP, _STEP)],
            wsems[i],
        ).wait()


def kernel(word_ids, word_emb):
    idx = word_ids.reshape(_TOTAL)
    return _emb_gather(idx, word_emb).reshape(_B, _L, _D)

# --- scband reference (transcript-rebuilt; emitter-appended) ---
"""Pipeline reference for scband-word-embedding-60327110640008 (READ-ONLY COPY).

The authoritative reference and input builder live on the scoring server;
editing this copy changes nothing except your own understanding.
"""

import jax, jax.numpy as jnp
import numpy as np

NUM_WORDS = 1000000
WORD_DIM = 64
BATCH = 4096
HIST = 50


def setup_inputs(seed: int = 0) -> dict:
    key = jax.random.key(seed)
    k_ids, k_tab = jax.random.split(key)
    word_ids = jax.random.randint(k_ids, (BATCH, HIST), 0, NUM_WORDS, dtype=jnp.int32)
    # nn.Embedding weight, padding_idx=0 row zeroed at init
    word_emb = jax.random.normal(k_tab, (NUM_WORDS, WORD_DIM), dtype=jnp.float32)
    word_emb = word_emb.at[0].set(0.0)
    return {"word_ids": word_ids, "word_emb": word_emb}


def reference(word_ids, word_emb):
    # WordEmbedding.forward with is_pretrained=False, to_norm=False, drop_rate=0.0
    # padding_idx=0 -> row 0 is the (zero) pad vector
    table = word_emb.at[0].set(0.0)
    out = jnp.take(table, word_ids, axis=0)  # [B, L, D] embedding gather
    # dropout with p=0.0 is identity; to_norm=False skips normalize
    return out

if __name__ == "__main__":
    import jax
    _d = setup_inputs()
    print(jax.jit(kernel)(*tuple(_d.values())))

</pallas_src>

<mosaic_0001>
#map = affine_map<(d0, d1) -> (0)>
#map1 = affine_map<(d0, d1) -> (0, 0)>
module attributes {stable_mosaic.version = 14 : i64} {
  func.func @_emb_gather(%arg0: i32, %arg1: i32, %arg2: memref<204800xi32, #tpu.memory_space<hbm>>, %arg3: memref<1000000x64xf32, #tpu.memory_space<hbm>>, %arg4: memref<204800x64xf32, #tpu.memory_space<hbm>>, %arg5: memref<6400xi32, #tpu.memory_space<vmem>>, %arg6: memref<10x128x64xf32, #tpu.memory_space<vmem>>, %arg7: memref<!tpu.dma_semaphore, #tpu.memory_space<semaphore_mem>>, %arg8: memref<!tpu.dma_semaphore, #tpu.memory_space<semaphore_mem>>, %arg9: memref<!tpu.dma_semaphore, #tpu.memory_space<semaphore_mem>>, %arg10: memref<!tpu.dma_semaphore, #tpu.memory_space<semaphore_mem>>, %arg11: memref<!tpu.dma_semaphore, #tpu.memory_space<semaphore_mem>>, %arg12: memref<!tpu.dma_semaphore, #tpu.memory_space<semaphore_mem>>, %arg13: memref<!tpu.dma_semaphore, #tpu.memory_space<semaphore_mem>>, %arg14: memref<!tpu.dma_semaphore, #tpu.memory_space<semaphore_mem>>, %arg15: memref<!tpu.dma_semaphore, #tpu.memory_space<semaphore_mem>>, %arg16: memref<!tpu.dma_semaphore, #tpu.memory_space<semaphore_mem>>, %arg17: memref<!tpu.dma_semaphore, #tpu.memory_space<semaphore_mem>>, %arg18: memref<!tpu.dma_semaphore, #tpu.memory_space<semaphore_mem>>, %arg19: memref<!tpu.dma_semaphore, #tpu.memory_space<semaphore_mem>>, %arg20: memref<!tpu.dma_semaphore, #tpu.memory_space<semaphore_mem>>, %arg21: memref<!tpu.dma_semaphore, #tpu.memory_space<semaphore_mem>>, %arg22: memref<!tpu.dma_semaphore, #tpu.memory_space<semaphore_mem>>, %arg23: memref<!tpu.dma_semaphore, #tpu.memory_space<semaphore_mem>>, %arg24: memref<!tpu.dma_semaphore, #tpu.memory_space<semaphore_mem>>, %arg25: memref<!tpu.dma_semaphore, #tpu.memory_space<semaphore_mem>>, %arg26: memref<!tpu.dma_semaphore, #tpu.memory_space<semaphore_mem>>) attributes {dimension_semantics = [#tpu.dimension_semantics<core_parallel>, #tpu.dimension_semantics<subcore_parallel>], iteration_bounds = array<i64: 2, 16>, scalar_prefetch = 0 : i64, scratch_operands = 22 : i64, tpu.core_type = #tpu.core_type<sc_vector_subcore>, window_params = [{transform_indices = #map}, {transform_indices = #map1}, {transform_indices = #map1}]} {
    %mul3A = arith.constant 2 : i32
    %mul3A_0 = arith.muli %arg1, %mul3A : i32
    %add3A = arith.addi %mul3A_0, %arg0 : i32
    %mul3A_1 = arith.constant 6400 : i32
    %mul3A_2 = arith.muli %add3A, %mul3A_1 : i32
    "tpu.region"() ({
      %run_scoped3A = tpu.sem_alloc : memref<!tpu.dma_semaphore, #tpu.memory_space<semaphore_mem>>
      %dma_start3A_256 = tpu.memref_slice %arg2[%mul3A_2] : memref<204800xi32, #tpu.memory_space<hbm>> -> memref<6400xi32, #tpu.memory_space<hbm>>
      %dma_start3A_257 = tpu.memref_slice %arg2[%mul3A_2] : memref<204800xi32, #tpu.memory_space<hbm>> -> memref<6400xi32, #tpu.memory_space<hbm>>
      tpu.enqueue_dma source(%dma_start3A_257 : memref<6400xi32, #tpu.memory_space<hbm>>) target(%arg5 : memref<6400xi32, #tpu.memory_space<vmem>>) target_semaphore(%run_scoped3A : memref<!tpu.dma_semaphore, #tpu.memory_space<semaphore_mem>>)
      %dma_wait3A_258 = tpu.memref_slice %arg2[%mul3A_2] : memref<204800xi32, #tpu.memory_space<hbm>> -> memref<6400xi32, #tpu.memory_space<hbm>>
      %dma_wait3A_259 = tpu.memref_slice %arg2[%mul3A_2] : memref<204800xi32, #tpu.memory_space<hbm>> -> memref<6400xi32, #tpu.memory_space<hbm>>
      tpu.wait_dma2 semaphore(%run_scoped3A : memref<!tpu.dma_semaphore, #tpu.memory_space<semaphore_mem>>) src(%dma_wait3A_259 : memref<6400xi32, #tpu.memory_space<hbm>>) dst(%arg5 : memref<6400xi32, #tpu.memory_space<vmem>>)
      tpu.yield
    }) : () -> ()
    %dma_start3A = arith.constant 0 : i32
    %dma_start3A_3 = arith.constant 0 : i32
    %dma_start3A_4 = arith.constant 0 : i32
    %dma_start3A_5 = tpu.memref_slice %arg6[%dma_start3A, %dma_start3A_3, %dma_start3A_4] : memref<10x128x64xf32, #tpu.memory_space<vmem>> -> memref<1x128x64xf32, #tpu.memory_space<vmem>>
    %dma_start3A_6 = tpu.memref_squeeze %dma_start3A_5 : memref<1x128x64xf32, #tpu.memory_space<vmem>> -> memref<128x64xf32, #tpu.memory_space<vmem>>
    %dma_start3A_7 = arith.constant 0 : i32
    %dma_start3A_8 = tpu.memref_slice %arg5[%dma_start3A_7] : memref<6400xi32, #tpu.memory_space<vmem>> -> memref<128xi32, #tpu.memory_space<vmem>>
    %dma_start3A_9 = arith.constant 0 : i32
    %dma_start3A_10 = arith.constant 0 : i32
    %dma_start3A_11 = tpu.memref_slice %arg3[%dma_start3A_9, %dma_start3A_10] : memref<1000000x64xf32, #tpu.memory_space<hbm>> -> memref<1000000x64xf32, #tpu.memory_space<hbm>>
    tpu.enqueue_indirect_dma source(%dma_start3A_11 : memref<1000000x64xf32, #tpu.memory_space<hbm>>) target(%dma_start3A_6 : memref<128x64xf32, #tpu.memory_space<vmem>>) offsets(%dma_start3A_8 : memref<128xi32, #tpu.memory_space<vmem>>) semaphore(%arg7 : memref<!tpu.dma_semaphore, #tpu.memory_space<semaphore_mem>>)
    %dma_start3A_12 = arith.constant 1 : i32
    %dma_start3A_13 = arith.constant 0 : i32
    %dma_start3A_14 = arith.constant 0 : i32
    %dma_start3A_15 = tpu.memref_slice %arg6[%dma_start3A_12, %dma_start3A_13, %dma_start3A_14] : memref<10x128x64xf32, #tpu.memory_space<vmem>> -> memref<1x128x64xf32, #tpu.memory_space<vmem>>
    %dma_start3A_16 = tpu.memref_squeeze %dma_start3A_15 : memref<1x128x64xf32, #tpu.memory_space<vmem>> -> memref<128x64xf32, #tpu.memory_space<vmem>>
    %dma_start3A_17 = arith.constant 128 : i32
    %dma_start3A_18 = tpu.memref_slice %arg5[%dma_start3A_17] : memref<6400xi32, #tpu.memory_space<vmem>> -> memref<128xi32, #tpu.memory_space<vmem>>
    %dma_start3A_19 = arith.constant 0 : i32
    %dma_start3A_20 = arith.constant 0 : i32
    %dma_start3A_21 = tpu.memref_slice %arg3[%dma_start3A_19, %dma_start3A_20] : memref<1000000x64xf32, #tpu.memory_space<hbm>> -> memref<1000000x64xf32, #tpu.memory_space<hbm>>
    tpu.enqueue_indirect_dma source(%dma_start3A_21 : memref<1000000x64xf32, #tpu.memory_space<hbm>>) target(%dma_start3A_16 : memref<128x64xf32, #tpu.memory_space<vmem>>) offsets(%dma_start3A_18 : memref<128xi32, #tpu.memory_space<vmem>>) semaphore(%arg8 : memref<!tpu.dma_semaphore, #tpu.memory_space<semaphore_mem>>)
    %dma_start3A_22 = arith.constant 2 : i32
    %dma_start3A_23 = arith.constant 0 : i32
    %dma_start3A_24 = arith.constant 0 : i32
    %dma_start3A_25 = tpu.memref_slice %arg6[%dma_start3A_22, %dma_start3A_23, %dma_start3A_24] : memref<10x128x64xf32, #tpu.memory_space<vmem>> -> memref<1x128x64xf32, #tpu.memory_space<vmem>>
    %dma_start3A_26 = tpu.memref_squeeze %dma_start3A_25 : memref<1x128x64xf32, #tpu.memory_space<vmem>> -> memref<128x64xf32, #tpu.memory_space<vmem>>
    %dma_start3A_27 = arith.constant 256 : i32
    %dma_start3A_28 = tpu.memref_slice %arg5[%dma_start3A_27] : memref<6400xi32, #tpu.memory_space<vmem>> -> memref<128xi32, #tpu.memory_space<vmem>>
    %dma_start3A_29 = arith.constant 0 : i32
    %dma_start3A_30 = arith.constant 0 : i32
    %dma_start3A_31 = tpu.memref_slice %arg3[%dma_start3A_29, %dma_start3A_30] : memref<1000000x64xf32, #tpu.memory_space<hbm>> -> memref<1000000x64xf32, #tpu.memory_space<hbm>>
    tpu.enqueue_indirect_dma source(%dma_start3A_31 : memref<1000000x64xf32, #tpu.memory_space<hbm>>) target(%dma_start3A_26 : memref<128x64xf32, #tpu.memory_space<vmem>>) offsets(%dma_start3A_28 : memref<128xi32, #tpu.memory_space<vmem>>) semaphore(%arg9 : memref<!tpu.dma_semaphore, #tpu.memory_space<semaphore_mem>>)
    %dma_start3A_32 = arith.constant 3 : i32
    %dma_start3A_33 = arith.constant 0 : i32
    %dma_start3A_34 = arith.constant 0 : i32
    %dma_start3A_35 = tpu.memref_slice %arg6[%dma_start3A_32, %dma_start3A_33, %dma_start3A_34] : memref<10x128x64xf32, #tpu.memory_space<vmem>> -> memref<1x128x64xf32, #tpu.memory_space<vmem>>
    %dma_start3A_36 = tpu.memref_squeeze %dma_start3A_35 : memref<1x128x64xf32, #tpu.memory_space<vmem>> -> memref<128x64xf32, #tpu.memory_space<vmem>>
    %dma_start3A_37 = arith.constant 384 : i32
    %dma_start3A_38 = tpu.memref_slice %arg5[%dma_start3A_37] : memref<6400xi32, #tpu.memory_space<vmem>> -> memref<128xi32, #tpu.memory_space<vmem>>
    %dma_start3A_39 = arith.constant 0 : i32
    %dma_start3A_40 = arith.constant 0 : i32
    %dma_start3A_41 = tpu.memref_slice %arg3[%dma_start3A_39, %dma_start3A_40] : memref<1000000x64xf32, #tpu.memory_space<hbm>> -> memref<1000000x64xf32, #tpu.memory_space<hbm>>
    tpu.enqueue_indirect_dma source(%dma_start3A_41 : memref<1000000x64xf32, #tpu.memory_space<hbm>>) target(%dma_start3A_36 : memref<128x64xf32, #tpu.memory_space<vmem>>) offsets(%dma_start3A_38 : memref<128xi32, #tpu.memory_space<vmem>>) semaphore(%arg10 : memref<!tpu.dma_semaphore, #tpu.memory_space<semaphore_mem>>)
    %dma_start3A_42 = arith.constant 4 : i32
    %dma_start3A_43 = arith.constant 0 : i32
    %dma_start3A_44 = arith.constant 0 : i32
    %dma_start3A_45 = tpu.memref_slice %arg6[%dma_start3A_42, %dma_start3A_43, %dma_start3A_44] : memref<10x128x64xf32, #tpu.memory_space<vmem>> -> memref<1x128x64xf32, #tpu.memory_space<vmem>>
    %dma_start3A_46 = tpu.memref_squeeze %dma_start3A_45 : memref<1x128x64xf32, #tpu.memory_space<vmem>> -> memref<128x64xf32, #tpu.memory_space<vmem>>
    %dma_start3A_47 = arith.constant 512 : i32
    %dma_start3A_48 = tpu.memref_slice %arg5[%dma_start3A_47] : memref<6400xi32, #tpu.memory_space<vmem>> -> memref<128xi32, #tpu.memory_space<vmem>>
    %dma_start3A_49 = arith.constant 0 : i32
    %dma_start3A_50 = arith.constant 0 : i32
    %dma_start3A_51 = tpu.memref_slice %arg3[%dma_start3A_49, %dma_start3A_50] : memref<1000000x64xf32, #tpu.memory_space<hbm>> -> memref<1000000x64xf32, #tpu.memory_space<hbm>>
    tpu.enqueue_indirect_dma source(%dma_start3A_51 : memref<1000000x64xf32, #tpu.memory_space<hbm>>) target(%dma_start3A_46 : memref<128x64xf32, #tpu.memory_space<vmem>>) offsets(%dma_start3A_48 : memref<128xi32, #tpu.memory_space<vmem>>) semaphore(%arg11 : memref<!tpu.dma_semaphore, #tpu.memory_space<semaphore_mem>>)
    %dma_start3A_52 = arith.constant 5 : i32
    %dma_start3A_53 = arith.constant 0 : i32
    %dma_start3A_54 = arith.constant 0 : i32
    %dma_start3A_55 = tpu.memref_slice %arg6[%dma_start3A_52, %dma_start3A_53, %dma_start3A_54] : memref<10x128x64xf32, #tpu.memory_space<vmem>> -> memref<1x128x64xf32, #tpu.memory_space<vmem>>
    %dma_start3A_56 = tpu.memref_squeeze %dma_start3A_55 : memref<1x128x64xf32, #tpu.memory_space<vmem>> -> memref<128x64xf32, #tpu.memory_space<vmem>>
    %dma_start3A_57 = arith.constant 640 : i32
    %dma_start3A_58 = tpu.memref_slice %arg5[%dma_start3A_57] : memref<6400xi32, #tpu.memory_space<vmem>> -> memref<128xi32, #tpu.memory_space<vmem>>
    %dma_start3A_59 = arith.constant 0 : i32
    %dma_start3A_60 = arith.constant 0 : i32
    %dma_start3A_61 = tpu.memref_slice %arg3[%dma_start3A_59, %dma_start3A_60] : memref<1000000x64xf32, #tpu.memory_space<hbm>> -> memref<1000000x64xf32, #tpu.memory_space<hbm>>
    tpu.enqueue_indirect_dma source(%dma_start3A_61 : memref<1000000x64xf32, #tpu.memory_space<hbm>>) target(%dma_start3A_56 : memref<128x64xf32, #tpu.memory_space<vmem>>) offsets(%dma_start3A_58 : memref<128xi32, #tpu.memory_space<vmem>>) semaphore(%arg12 : memref<!tpu.dma_semaphore, #tpu.memory_space<semaphore_mem>>)
    %dma_start3A_62 = arith.constant 6 : i32
    %dma_start3A_63 = arith.constant 0 : i32
    %dma_start3A_64 = arith.constant 0 : i32
    %dma_start3A_65 = tpu.memref_slice %arg6[%dma_start3A_62, %dma_start3A_63, %dma_start3A_64] : memref<10x128x64xf32, #tpu.memory_space<vmem>> -> memref<1x128x64xf32, #tpu.memory_space<vmem>>
    %dma_start3A_66 = tpu.memref_squeeze %dma_start3A_65 : memref<1x128x64xf32, #tpu.memory_space<vmem>> -> memref<128x64xf32, #tpu.memory_space<vmem>>
    %dma_start3A_67 = arith.constant 768 : i32
    %dma_start3A_68 = tpu.memref_slice %arg5[%dma_start3A_67] : memref<6400xi32, #tpu.memory_space<vmem>> -> memref<128xi32, #tpu.memory_space<vmem>>
    %dma_start3A_69 = arith.constant 0 : i32
    %dma_start3A_70 = arith.constant 0 : i32
    %dma_start3A_71 = tpu.memref_slice %arg3[%dma_start3A_69, %dma_start3A_70] : memref<1000000x64xf32, #tpu.memory_space<hbm>> -> memref<1000000x64xf32, #tpu.memory_space<hbm>>
    tpu.enqueue_indirect_dma source(%dma_start3A_71 : memref<1000000x64xf32, #tpu.memory_space<hbm>>) target(%dma_start3A_66 : memref<128x64xf32, #tpu.memory_space<vmem>>) offsets(%dma_start3A_68 : memref<128xi32, #tpu.memory_space<vmem>>) semaphore(%arg13 : memref<!tpu.dma_semaphore, #tpu.memory_space<semaphore_mem>>)
    %dma_start3A_72 = arith.constant 7 : i32
    %dma_start3A_73 = arith.constant 0 : i32
    %dma_start3A_74 = arith.constant 0 : i32
    %dma_start3A_75 = tpu.memref_slice %arg6[%dma_start3A_72, %dma_start3A_73, %dma_start3A_74] : memref<10x128x64xf32, #tpu.memory_space<vmem>> -> memref<1x128x64xf32, #tpu.memory_space<vmem>>
    %dma_start3A_76 = tpu.memref_squeeze %dma_start3A_75 : memref<1x128x64xf32, #tpu.memory_space<vmem>> -> memref<128x64xf32, #tpu.memory_space<vmem>>
    %dma_start3A_77 = arith.constant 896 : i32
    %dma_start3A_78 = tpu.memref_slice %arg5[%dma_start3A_77] : memref<6400xi32, #tpu.memory_space<vmem>> -> memref<128xi32, #tpu.memory_space<vmem>>
    %dma_start3A_79 = arith.constant 0 : i32
    %dma_start3A_80 = arith.constant 0 : i32
    %dma_start3A_81 = tpu.memref_slice %arg3[%dma_start3A_79, %dma_start3A_80] : memref<1000000x64xf32, #tpu.memory_space<hbm>> -> memref<1000000x64xf32, #tpu.memory_space<hbm>>
    tpu.enqueue_indirect_dma source(%dma_start3A_81 : memref<1000000x64xf32, #tpu.memory_space<hbm>>) target(%dma_start3A_76 : memref<128x64xf32, #tpu.memory_space<vmem>>) offsets(%dma_start3A_78 : memref<128xi32, #tpu.memory_space<vmem>>) semaphore(%arg14 : memref<!tpu.dma_semaphore, #tpu.memory_space<semaphore_mem>>)
    %dma_start3A_82 = arith.constant 8 : i32
    %dma_start3A_83 = arith.constant 0 : i32
    %dma_start3A_84 = arith.constant 0 : i32
    %dma_start3A_85 = tpu.memref_slice %arg6[%dma_start3A_82, %dma_start3A_83, %dma_start3A_84] : memref<10x128x64xf32, #tpu.memory_space<vmem>> -> memref<1x128x64xf32, #tpu.memory_space<vmem>>
    %dma_start3A_86 = tpu.memref_squeeze %dma_start3A_85 : memref<1x128x64xf32, #tpu.memory_space<vmem>> -> memref<128x64xf32, #tpu.memory_space<vmem>>
    %dma_start3A_87 = arith.constant 1024 : i32
    %dma_start3A_88 = tpu.memref_slice %arg5[%dma_start3A_87] : memref<6400xi32, #tpu.memory_space<vmem>> -> memref<128xi32, #tpu.memory_space<vmem>>
    %dma_start3A_89 = arith.constant 0 : i32
    %dma_start3A_90 = arith.constant 0 : i32
    %dma_start3A_91 = tpu.memref_slice %arg3[%dma_start3A_89, %dma_start3A_90] : memref<1000000x64xf32, #tpu.memory_space<hbm>> -> memref<1000000x64xf32, #tpu.memory_space<hbm>>
    tpu.enqueue_indirect_dma source(%dma_start3A_91 : memref<1000000x64xf32, #tpu.memory_space<hbm>>) target(%dma_start3A_86 : memref<128x64xf32, #tpu.memory_space<vmem>>) offsets(%dma_start3A_88 : memref<128xi32, #tpu.memory_space<vmem>>) semaphore(%arg15 : memref<!tpu.dma_semaphore, #tpu.memory_space<semaphore_mem>>)
    %dma_start3A_92 = arith.constant 9 : i32
    %dma_start3A_93 = arith.constant 0 : i32
    %dma_start3A_94 = arith.constant 0 : i32
    %dma_start3A_95 = tpu.memref_slice %arg6[%dma_start3A_92, %dma_start3A_93, %dma_start3A_94] : memref<10x128x64xf32, #tpu.memory_space<vmem>> -> memref<1x128x64xf32, #tpu.memory_space<vmem>>
    %dma_start3A_96 = tpu.memref_squeeze %dma_start3A_95 : memref<1x128x64xf32, #tpu.memory_space<vmem>> -> memref<128x64xf32, #tpu.memory_space<vmem>>
    %dma_start3A_97 = arith.constant 1152 : i32
    %dma_start3A_98 = tpu.memref_slice %arg5[%dma_start3A_97] : memref<6400xi32, #tpu.memory_space<vmem>> -> memref<128xi32, #tpu.memory_space<vmem>>
    %dma_start3A_99 = arith.constant 0 : i32
    %dma_start3A_100 = arith.constant 0 : i32
    %dma_start3A_101 = tpu.memref_slice %arg3[%dma_start3A_99, %dma_start3A_100] : memref<1000000x64xf32, #tpu.memory_space<hbm>> -> memref<1000000x64xf32, #tpu.memory_space<hbm>>
    tpu.enqueue_indirect_dma source(%dma_start3A_101 : memref<1000000x64xf32, #tpu.memory_space<hbm>>) target(%dma_start3A_96 : memref<128x64xf32, #tpu.memory_space<vmem>>) offsets(%dma_start3A_98 : memref<128xi32, #tpu.memory_space<vmem>>) semaphore(%arg16 : memref<!tpu.dma_semaphore, #tpu.memory_space<semaphore_mem>>)
    %scan3A = arith.constant 0 : i32
    %scan3A_102 = arith.constant 0 : i32
    %scan3A_103 = arith.constant 5 : i32
    %scan3A_104 = arith.addi %scan3A_102, %scan3A_103 : i32
    %scan3A_105 = arith.constant 1 : i32
    scf.for %scan3A_256 = %scan3A_102 to %scan3A_104 step %scan3A_105  : i32 {
      %mul3A_257 = arith.constant 10 : i32
      %mul3A_258 = arith.muli %scan3A_256, %mul3A_257 : i32
      %add3A_259 = arith.constant 0 : i32
      %add3A_260 = arith.addi %mul3A_258, %add3A_259 : i32
      %mul3A_261 = arith.constant 128 : i32
      %mul3A_262 = arith.muli %add3A_260, %mul3A_261 : i32
      %dma_wait3A_263 = arith.constant 0 : i32
      %dma_wait3A_264 = arith.constant 0 : i32
      %dma_wait3A_265 = arith.constant 0 : i32
      %dma_wait3A_266 = tpu.memref_slice %arg6[%dma_wait3A_263, %dma_wait3A_264, %dma_wait3A_265] : memref<10x128x64xf32, #tpu.memory_space<vmem>> -> memref<1x128x64xf32, #tpu.memory_space<vmem>>
      %dma_wait3A_267 = tpu.memref_squeeze %dma_wait3A_266 : memref<1x128x64xf32, #tpu.memory_space<vmem>> -> memref<128x64xf32, #tpu.memory_space<vmem>>
      %dma_wait3A_268 = tpu.memref_slice %arg5[%mul3A_262] : memref<6400xi32, #tpu.memory_space<vmem>> -> memref<128xi32, #tpu.memory_space<vmem>>
      %dma_wait3A_269 = arith.constant 0 : i32
      %dma_wait3A_270 = arith.constant 0 : i32
      %dma_wait3A_271 = tpu.memref_slice %arg3[%dma_wait3A_269, %dma_wait3A_270] : memref<1000000x64xf32, #tpu.memory_space<hbm>> -> memref<1000000x64xf32, #tpu.memory_space<hbm>>
      tpu.wait_indirect_dma semaphore(%arg7 : memref<!tpu.dma_semaphore, #tpu.memory_space<semaphore_mem>>) src(%dma_wait3A_271 : memref<1000000x64xf32, #tpu.memory_space<hbm>>) dst(%dma_wait3A_267 : memref<128x64xf32, #tpu.memory_space<vmem>>)
      %mul3A_272 = arith.constant 128 : i32
      %mul3A_273 = arith.muli %add3A_260, %mul3A_272 : i32
      %add3A_274 = arith.addi %mul3A_2, %mul3A_273 : i32
      %dma_start3A_275 = arith.constant 0 : i32
      %dma_start3A_276 = arith.constant 0 : i32
      %dma_start3A_277 = arith.constant 0 : i32
      %dma_start3A_278 = tpu.memref_slice %arg6[%dma_start3A_275, %dma_start3A_276, %dma_start3A_277] : memref<10x128x64xf32, #tpu.memory_space<vmem>> -> memref<1x128x64xf32, #tpu.memory_space<vmem>>
      %dma_start3A_279 = tpu.memref_squeeze %dma_start3A_278 : memref<1x128x64xf32, #tpu.memory_space<vmem>> -> memref<128x64xf32, #tpu.memory_space<vmem>>
      %dma_start3A_280 = arith.constant 0 : i32
      %dma_start3A_281 = tpu.memref_slice %arg4[%add3A_274, %dma_start3A_280] : memref<204800x64xf32, #tpu.memory_space<hbm>> -> memref<128x64xf32, #tpu.memory_space<hbm>>
      %dma_start3A_282 = arith.constant 0 : i32
      %dma_start3A_283 = tpu.memref_slice %arg4[%add3A_274, %dma_start3A_282] : memref<204800x64xf32, #tpu.memory_space<hbm>> -> memref<128x64xf32, #tpu.memory_space<hbm>>
      %dma_start3A_284 = arith.constant 0 : i32
      %dma_start3A_285 = arith.constant 0 : i32
      %dma_start3A_286 = tpu.memref_slice %arg6[%dma_start3A_275, %dma_start3A_284, %dma_start3A_285] : memref<10x128x64xf32, #tpu.memory_space<vmem>> -> memref<1x128x64xf32, #tpu.memory_space<vmem>>
      %dma_start3A_287 = tpu.memref_squeeze %dma_start3A_286 : memref<1x128x64xf32, #tpu.memory_space<vmem>> -> memref<128x64xf32, #tpu.memory_space<vmem>>
      tpu.enqueue_dma source(%dma_start3A_287 : memref<128x64xf32, #tpu.memory_space<vmem>>) target(%dma_start3A_283 : memref<128x64xf32, #tpu.memory_space<hbm>>) target_semaphore(%arg17 : memref<!tpu.dma_semaphore, #tpu.memory_space<semaphore_mem>>)
      %lt3A = arith.constant 4 : i32
      %lt3A_288 = arith.cmpi slt, %scan3A_256, %lt3A : i32
      %convert_element_type3A = arith.extui %lt3A_288 : i1 to i32
      %cond3A = arith.constant 0 : i32
      %cond3A_289 = arith.constant 0 : i32
      %cond3A_290 = arith.cmpi ne, %convert_element_type3A, %cond3A_289 : i32
      scf.if %cond3A_290 {
        %dma_wait3A_624 = arith.constant 0 : i32
        %dma_wait3A_625 = arith.constant 0 : i32
        %dma_wait3A_626 = tpu.memref_slice %arg6[%cond3A, %dma_wait3A_624, %dma_wait3A_625] : memref<10x128x64xf32, #tpu.memory_space<vmem>> -> memref<1x128x64xf32, #tpu.memory_space<vmem>>
        %dma_wait3A_627 = tpu.memref_squeeze %dma_wait3A_626 : memref<1x128x64xf32, #tpu.memory_space<vmem>> -> memref<128x64xf32, #tpu.memory_space<vmem>>
        %dma_wait3A_628 = arith.constant 0 : i32
        %dma_wait3A_629 = tpu.memref_slice %arg4[%add3A_274, %dma_wait3A_628] : memref<204800x64xf32, #tpu.memory_space<hbm>> -> memref<128x64xf32, #tpu.memory_space<hbm>>
        %dma_wait3A_630 = arith.constant 0 : i32
        %dma_wait3A_631 = tpu.memref_slice %arg4[%add3A_274, %dma_wait3A_630] : memref<204800x64xf32, #tpu.memory_space<hbm>> -> memref<128x64xf32, #tpu.memory_space<hbm>>
        %dma_wait3A_632 = arith.constant 0 : i32
        %dma_wait3A_633 = arith.constant 0 : i32
        %dma_wait3A_634 = tpu.memref_slice %arg6[%cond3A, %dma_wait3A_632, %dma_wait3A_633] : memref<10x128x64xf32, #tpu.memory_space<vmem>> -> memref<1x128x64xf32, #tpu.memory_space<vmem>>
        %dma_wait3A_635 = tpu.memref_squeeze %dma_wait3A_634 : memref<1x128x64xf32, #tpu.memory_space<vmem>> -> memref<128x64xf32, #tpu.memory_space<vmem>>
        tpu.wait_dma2 semaphore(%arg17 : memref<!tpu.dma_semaphore, #tpu.memory_space<semaphore_mem>>) src(%dma_wait3A_635 : memref<128x64xf32, #tpu.memory_space<vmem>>) dst(%dma_wait3A_631 : memref<128x64xf32, #tpu.memory_space<hbm>>)
        %add3A_636 = arith.constant 10 : i32
        %add3A_637 = arith.addi %add3A_260, %add3A_636 : i32
        %mul3A_638 = arith.constant 128 : i32
        %mul3A_639 = arith.muli %add3A_637, %mul3A_638 : i32
        %dma_start3A_640 = arith.constant 0 : i32
        %dma_start3A_641 = arith.constant 0 : i32
        %dma_start3A_642 = arith.constant 0 : i32
        %dma_start3A_643 = tpu.memref_slice %arg6[%dma_start3A_640, %dma_start3A_641, %dma_start3A_642] : memref<10x128x64xf32, #tpu.memory_space<vmem>> -> memref<1x128x64xf32, #tpu.memory_space<vmem>>
        %dma_start3A_644 = tpu.memref_squeeze %dma_start3A_643 : memref<1x128x64xf32, #tpu.memory_space<vmem>> -> memref<128x64xf32, #tpu.memory_space<vmem>>
        %dma_start3A_645 = tpu.memref_slice %arg5[%mul3A_639] : memref<6400xi32, #tpu.memory_space<vmem>> -> memref<128xi32, #tpu.memory_space<vmem>>
        %dma_start3A_646 = arith.constant 0 : i32
        %dma_start3A_647 = arith.constant 0 : i32
        %dma_start3A_648 = tpu.memref_slice %arg3[%dma_start3A_646, %dma_start3A_647] : memref<1000000x64xf32, #tpu.memory_space<hbm>> -> memref<1000000x64xf32, #tpu.memory_space<hbm>>
        tpu.enqueue_indirect_dma source(%dma_start3A_648 : memref<1000000x64xf32, #tpu.memory_space<hbm>>) target(%dma_start3A_644 : memref<128x64xf32, #tpu.memory_space<vmem>>) offsets(%dma_start3A_645 : memref<128xi32, #tpu.memory_space<vmem>>) semaphore(%arg7 : memref<!tpu.dma_semaphore, #tpu.memory_space<semaphore_mem>>)
      } else {
      }
      %mul3A_291 = arith.constant 10 : i32
      %mul3A_292 = arith.muli %scan3A_256, %mul3A_291 : i32
      %add3A_293 = arith.constant 1 : i32
      %add3A_294 = arith.addi %mul3A_292, %add3A_293 : i32
      %mul3A_295 = arith.constant 128 : i32
      %mul3A_296 = arith.muli %add3A_294, %mul3A_295 : i32
      %dma_wait3A_297 = arith.constant 1 : i32
      %dma_wait3A_298 = arith.constant 0 : i32
      %dma_wait3A_299 = arith.constant 0 : i32
      %dma_wait3A_300 = tpu.memref_slice %arg6[%dma_wait3A_297, %dma_wait3A_298, %dma_wait3A_299] : memref<10x128x64xf32, #tpu.memory_space<vmem>> -> memref<1x128x64xf32, #tpu.memory_space<vmem>>
      %dma_wait3A_301 = tpu.memref_squeeze %dma_wait3A_300 : memref<1x128x64xf32, #tpu.memory_space<vmem>> -> memref<128x64xf32, #tpu.memory_space<vmem>>
      %dma_wait3A_302 = tpu.memref_slice %arg5[%mul3A_296] : memref<6400xi32, #tpu.memory_space<vmem>> -> memref<128xi32, #tpu.memory_space<vmem>>
      %dma_wait3A_303 = arith.constant 0 : i32
      %dma_wait3A_304 = arith.constant 0 : i32
      %dma_wait3A_305 = tpu.memref_slice %arg3[%dma_wait3A_303, %dma_wait3A_304] : memref<1000000x64xf32, #tpu.memory_space<hbm>> -> memref<1000000x64xf32, #tpu.memory_space<hbm>>
      tpu.wait_indirect_dma semaphore(%arg8 : memref<!tpu.dma_semaphore, #tpu.memory_space<semaphore_mem>>) src(%dma_wait3A_305 : memref<1000000x64xf32, #tpu.memory_space<hbm>>) dst(%dma_wait3A_301 : memref<128x64xf32, #tpu.memory_space<vmem>>)
      %mul3A_306 = arith.constant 128 : i32
      %mul3A_307 = arith.muli %add3A_294, %mul3A_306 : i32
      %add3A_308 = arith.addi %mul3A_2, %mul3A_307 : i32
      %dma_start3A_309 = arith.constant 1 : i32
      %dma_start3A_310 = arith.constant 0 : i32
      %dma_start3A_311 = arith.constant 0 : i32
      %dma_start3A_312 = tpu.memref_slice %arg6[%dma_start3A_309, %dma_start3A_310, %dma_start3A_311] : memref<10x128x64xf32, #tpu.memory_space<vmem>> -> memref<1x128x64xf32, #tpu.memory_space<vmem>>
      %dma_start3A_313 = tpu.memref_squeeze %dma_start3A_312 : memref<1x128x64xf32, #tpu.memory_space<vmem>> -> memref<128x64xf32, #tpu.memory_space<vmem>>
      %dma_start3A_314 = arith.constant 0 : i32
      %dma_start3A_315 = tpu.memref_slice %arg4[%add3A_308, %dma_start3A_314] : memref<204800x64xf32, #tpu.memory_space<hbm>> -> memref<128x64xf32, #tpu.memory_space<hbm>>
      %dma_start3A_316 = arith.constant 0 : i32
      %dma_start3A_317 = tpu.memref_slice %arg4[%add3A_308, %dma_start3A_316] : memref<204800x64xf32, #tpu.memory_space<hbm>> -> memref<128x64xf32, #tpu.memory_space<hbm>>
      %dma_start3A_318 = arith.constant 0 : i32
      %dma_start3A_319 = arith.constant 0 : i32
      %dma_start3A_320 = tpu.memref_slice %arg6[%dma_start3A_309, %dma_start3A_318, %dma_start3A_319] : memref<10x128x64xf32, #tpu.memory_space<vmem>> -> memref<1x128x64xf32, #tpu.memory_space<vmem>>
      %dma_start3A_321 = tpu.memref_squeeze %dma_start3A_320 : memref<1x128x64xf32, #tpu.memory_space<vmem>> -> memref<128x64xf32, #tpu.memory_space<vmem>>
      tpu.enqueue_dma source(%dma_start3A_321 : memref<128x64xf32, #tpu.memory_space<vmem>>) target(%dma_start3A_317 : memref<128x64xf32, #tpu.memory_space<hbm>>) target_semaphore(%arg18 : memref<!tpu.dma_semaphore, #tpu.memory_space<semaphore_mem>>)
      %lt3A_322 = arith.constant 4 : i32
      %lt3A_323 = arith.cmpi slt, %scan3A_256, %lt3A_322 : i32
      %convert_element_type3A_324 = arith.extui %lt3A_323 : i1 to i32
      %cond3A_325 = arith.constant 1 : i32
      %cond3A_326 = arith.constant 0 : i32
      %cond3A_327 = arith.cmpi ne, %convert_element_type3A_324, %cond3A_326 : i32
      scf.if %cond3A_327 {
        %dma_wait3A_624 = arith.constant 0 : i32
        %dma_wait3A_625 = arith.constant 0 : i32
        %dma_wait3A_626 = tpu.memref_slice %arg6[%cond3A_325, %dma_wait3A_624, %dma_wait3A_625] : memref<10x128x64xf32, #tpu.memory_space<vmem>> -> memref<1x128x64xf32, #tpu.memory_space<vmem>>
        %dma_wait3A_627 = tpu.memref_squeeze %dma_wait3A_626 : memref<1x128x64xf32, #tpu.memory_space<vmem>> -> memref<128x64xf32, #tpu.memory_space<vmem>>
        %dma_wait3A_628 = arith.constant 0 : i32
        %dma_wait3A_629 = tpu.memref_slice %arg4[%add3A_308, %dma_wait3A_628] : memref<204800x64xf32, #tpu.memory_space<hbm>> -> memref<128x64xf32, #tpu.memory_space<hbm>>
        %dma_wait3A_630 = arith.constant 0 : i32
        %dma_wait3A_631 = tpu.memref_slice %arg4[%add3A_308, %dma_wait3A_630] : memref<204800x64xf32, #tpu.memory_space<hbm>> -> memref<128x64xf32, #tpu.memory_space<hbm>>
        %dma_wait3A_632 = arith.constant 0 : i32
        %dma_wait3A_633 = arith.constant 0 : i32
        %dma_wait3A_634 = tpu.memref_slice %arg6[%cond3A_325, %dma_wait3A_632, %dma_wait3A_633] : memref<10x128x64xf32, #tpu.memory_space<vmem>> -> memref<1x128x64xf32, #tpu.memory_space<vmem>>
        %dma_wait3A_635 = tpu.memref_squeeze %dma_wait3A_634 : memref<1x128x64xf32, #tpu.memory_space<vmem>> -> memref<128x64xf32, #tpu.memory_space<vmem>>
        tpu.wait_dma2 semaphore(%arg18 : memref<!tpu.dma_semaphore, #tpu.memory_space<semaphore_mem>>) src(%dma_wait3A_635 : memref<128x64xf32, #tpu.memory_space<vmem>>) dst(%dma_wait3A_631 : memref<128x64xf32, #tpu.memory_space<hbm>>)
        %add3A_636 = arith.constant 10 : i32
        %add3A_637 = arith.addi %add3A_294, %add3A_636 : i32
        %mul3A_638 = arith.constant 128 : i32
        %mul3A_639 = arith.muli %add3A_637, %mul3A_638 : i32
        %dma_start3A_640 = arith.constant 1 : i32
        %dma_start3A_641 = arith.constant 0 : i32
        %dma_start3A_642 = arith.constant 0 : i32
        %dma_start3A_643 = tpu.memref_slice %arg6[%dma_start3A_640, %dma_start3A_641, %dma_start3A_642] : memref<10x128x64xf32, #tpu.memory_space<vmem>> -> memref<1x128x64xf32, #tpu.memory_space<vmem>>
        %dma_start3A_644 = tpu.memref_squeeze %dma_start3A_643 : memref<1x128x64xf32, #tpu.memory_space<vmem>> -> memref<128x64xf32, #tpu.memory_space<vmem>>
        %dma_start3A_645 = tpu.memref_slice %arg5[%mul3A_639] : memref<6400xi32, #tpu.memory_space<vmem>> -> memref<128xi32, #tpu.memory_space<vmem>>
        %dma_start3A_646 = arith.constant 0 : i32
        %dma_start3A_647 = arith.constant 0 : i32
        %dma_start3A_648 = tpu.memref_slice %arg3[%dma_start3A_646, %dma_start3A_647] : memref<1000000x64xf32, #tpu.memory_space<hbm>> -> memref<1000000x64xf32, #tpu.memory_space<hbm>>
        tpu.enqueue_indirect_dma source(%dma_start3A_648 : memref<1000000x64xf32, #tpu.memory_space<hbm>>) target(%dma_start3A_644 : memref<128x64xf32, #tpu.memory_space<vmem>>) offsets(%dma_start3A_645 : memref<128xi32, #tpu.memory_space<vmem>>) semaphore(%arg8 : memref<!tpu.dma_semaphore, #tpu.memory_space<semaphore_mem>>)
      } else {
      }
      %mul3A_328 = arith.constant 10 : i32
      %mul3A_329 = arith.muli %scan3A_256, %mul3A_328 : i32
      %add3A_330 = arith.constant 2 : i32
      %add3A_331 = arith.addi %mul3A_329, %add3A_330 : i32
      %mul3A_332 = arith.constant 128 : i32
      %mul3A_333 = arith.muli %add3A_331, %mul3A_332 : i32
      %dma_wait3A_334 = arith.constant 2 : i32
      %dma_wait3A_335 = arith.constant 0 : i32
      %dma_wait3A_336 = arith.constant 0 : i32
      %dma_wait3A_337 = tpu.memref_slice %arg6[%dma_wait3A_334, %dma_wait3A_335, %dma_wait3A_336] : memref<10x128x64xf32, #tpu.memory_space<vmem>> -> memref<1x128x64xf32, #tpu.memory_space<vmem>>
      %dma_wait3A_338 = tpu.memref_squeeze %dma_wait3A_337 : memref<1x128x64xf32, #tpu.memory_space<vmem>> -> memref<128x64xf32, #tpu.memory_space<vmem>>
      %dma_wait3A_339 = tpu.memref_slice %arg5[%mul3A_333] : memref<6400xi32, #tpu.memory_space<vmem>> -> memref<128xi32, #tpu.memory_space<vmem>>
      %dma_wait3A_340 = arith.constant 0 : i32
      %dma_wait3A_341 = arith.constant 0 : i32
      %dma_wait3A_342 = tpu.memref_slice %arg3[%dma_wait3A_340, %dma_wait3A_341] : memref<1000000x64xf32, #tpu.memory_space<hbm>> -> memref<1000000x64xf32, #tpu.memory_space<hbm>>
      tpu.wait_indirect_dma semaphore(%arg9 : memref<!tpu.dma_semaphore, #tpu.memory_space<semaphore_mem>>) src(%dma_wait3A_342 : memref<1000000x64xf32, #tpu.memory_space<hbm>>) dst(%dma_wait3A_338 : memref<128x64xf32, #tpu.memory_space<vmem>>)
      %mul3A_343 = arith.constant 128 : i32
      %mul3A_344 = arith.muli %add3A_331, %mul3A_343 : i32
      %add3A_345 = arith.addi %mul3A_2, %mul3A_344 : i32
      %dma_start3A_346 = arith.constant 2 : i32
      %dma_start3A_347 = arith.constant 0 : i32
      %dma_start3A_348 = arith.constant 0 : i32
      %dma_start3A_349 = tpu.memref_slice %arg6[%dma_start3A_346, %dma_start3A_347, %dma_start3A_348] : memref<10x128x64xf32, #tpu.memory_space<vmem>> -> memref<1x128x64xf32, #tpu.memory_space<vmem>>
      %dma_start3A_350 = tpu.memref_squeeze %dma_start3A_349 : memref<1x128x64xf32, #tpu.memory_space<vmem>> -> memref<128x64xf32, #tpu.memory_space<vmem>>
      %dma_start3A_351 = arith.constant 0 : i32
      %dma_start3A_352 = tpu.memref_slice %arg4[%add3A_345, %dma_start3A_351] : memref<204800x64xf32, #tpu.memory_space<hbm>> -> memref<128x64xf32, #tpu.memory_space<hbm>>
      %dma_start3A_353 = arith.constant 0 : i32
      %dma_start3A_354 = tpu.memref_slice %arg4[%add3A_345, %dma_start3A_353] : memref<204800x64xf32, #tpu.memory_space<hbm>> -> memref<128x64xf32, #tpu.memory_space<hbm>>
      %dma_start3A_355 = arith.constant 0 : i32
      %dma_start3A_356 = arith.constant 0 : i32
      %dma_start3A_357 = tpu.memref_slice %arg6[%dma_start3A_346, %dma_start3A_355, %dma_start3A_356] : memref<10x128x64xf32, #tpu.memory_space<vmem>> -> memref<1x128x64xf32, #tpu.memory_space<vmem>>
      %dma_start3A_358 = tpu.memref_squeeze %dma_start3A_357 : memref<1x128x64xf32, #tpu.memory_space<vmem>> -> memref<128x64xf32, #tpu.memory_space<vmem>>
      tpu.enqueue_dma source(%dma_start3A_358 : memref<128x64xf32, #tpu.memory_space<vmem>>) target(%dma_start3A_354 : memref<128x64xf32, #tpu.memory_space<hbm>>) target_semaphore(%arg19 : memref<!tpu.dma_semaphore, #tpu.memory_space<semaphore_mem>>)
      %lt3A_359 = arith.constant 4 : i32
      %lt3A_360 = arith.cmpi slt, %scan3A_256, %lt3A_359 : i32
      %convert_element_type3A_361 = arith.extui %lt3A_360 : i1 to i32
      %cond3A_362 = arith.constant 2 : i32
      %cond3A_363 = arith.constant 0 : i32
      %cond3A_364 = arith.cmpi ne, %convert_element_type3A_361, %cond3A_363 : i32
      scf.if %cond3A_364 {
        %dma_wait3A_624 = arith.constant 0 : i32
        %dma_wait3A_625 = arith.constant 0 : i32
        %dma_wait3A_626 = tpu.memref_slice %arg6[%cond3A_362, %dma_wait3A_624, %dma_wait3A_625] : memref<10x128x64xf32, #tpu.memory_space<vmem>> -> memref<1x128x64xf32, #tpu.memory_space<vmem>>
        %dma_wait3A_627 = tpu.memref_squeeze %dma_wait3A_626 : memref<1x128x64xf32, #tpu.memory_space<vmem>> -> memref<128x64xf32, #tpu.memory_space<vmem>>
        %dma_wait3A_628 = arith.constant 0 : i32
        %dma_wait3A_629 = tpu.memref_slice %arg4[%add3A_345, %dma_wait3A_628] : memref<204800x64xf32, #tpu.memory_space<hbm>> -> memref<128x64xf32, #tpu.memory_space<hbm>>
        %dma_wait3A_630 = arith.constant 0 : i32
        %dma_wait3A_631 = tpu.memref_slice %arg4[%add3A_345, %dma_wait3A_630] : memref<204800x64xf32, #tpu.memory_space<hbm>> -> memref<128x64xf32, #tpu.memory_space<hbm>>
        %dma_wait3A_632 = arith.constant 0 : i32
        %dma_wait3A_633 = arith.constant 0 : i32
        %dma_wait3A_634 = tpu.memref_slice %arg6[%cond3A_362, %dma_wait3A_632, %dma_wait3A_633] : memref<10x128x64xf32, #tpu.memory_space<vmem>> -> memref<1x128x64xf32, #tpu.memory_space<vmem>>
        %dma_wait3A_635 = tpu.memref_squeeze %dma_wait3A_634 : memref<1x128x64xf32, #tpu.memory_space<vmem>> -> memref<128x64xf32, #tpu.memory_space<vmem>>
        tpu.wait_dma2 semaphore(%arg19 : memref<!tpu.dma_semaphore, #tpu.memory_space<semaphore_mem>>) src(%dma_wait3A_635 : memref<128x64xf32, #tpu.memory_space<vmem>>) dst(%dma_wait3A_631 : memref<128x64xf32, #tpu.memory_space<hbm>>)
        %add3A_636 = arith.constant 10 : i32
        %add3A_637 = arith.addi %add3A_331, %add3A_636 : i32
        %mul3A_638 = arith.constant 128 : i32
        %mul3A_639 = arith.muli %add3A_637, %mul3A_638 : i32
        %dma_start3A_640 = arith.constant 2 : i32
        %dma_start3A_641 = arith.constant 0 : i32
        %dma_start3A_642 = arith.constant 0 : i32
        %dma_start3A_643 = tpu.memref_slice %arg6[%dma_start3A_640, %dma_start3A_641, %dma_start3A_642] : memref<10x128x64xf32, #tpu.memory_space<vmem>> -> memref<1x128x64xf32, #tpu.memory_space<vmem>>
        %dma_start3A_644 = tpu.memref_squeeze %dma_start3A_643 : memref<1x128x64xf32, #tpu.memory_space<vmem>> -> memref<128x64xf32, #tpu.memory_space<vmem>>
        %dma_start3A_645 = tpu.memref_slice %arg5[%mul3A_639] : memref<6400xi32, #tpu.memory_space<vmem>> -> memref<128xi32, #tpu.memory_space<vmem>>
        %dma_start3A_646 = arith.constant 0 : i32
        %dma_start3A_647 = arith.constant 0 : i32
        %dma_start3A_648 = tpu.memref_slice %arg3[%dma_start3A_646, %dma_start3A_647] : memref<1000000x64xf32, #tpu.memory_space<hbm>> -> memref<1000000x64xf32, #tpu.memory_space<hbm>>
        tpu.enqueue_indirect_dma source(%dma_start3A_648 : memref<1000000x64xf32, #tpu.memory_space<hbm>>) target(%dma_start3A_644 : memref<128x64xf32, #tpu.memory_space<vmem>>) offsets(%dma_start3A_645 : memref<128xi32, #tpu.memory_space<vmem>>) semaphore(%arg9 : memref<!tpu.dma_semaphore, #tpu.memory_space<semaphore_mem>>)
      } else {
      }
      %mul3A_365 = arith.constant 10 : i32
      %mul3A_366 = arith.muli %scan3A_256, %mul3A_365 : i32
      %add3A_367 = arith.constant 3 : i32
      %add3A_368 = arith.addi %mul3A_366, %add3A_367 : i32
      %mul3A_369 = arith.constant 128 : i32
      %mul3A_370 = arith.muli %add3A_368, %mul3A_369 : i32
      %dma_wait3A_371 = arith.constant 3 : i32
      %dma_wait3A_372 = arith.constant 0 : i32
      %dma_wait3A_373 = arith.constant 0 : i32
      %dma_wait3A_374 = tpu.memref_slice %arg6[%dma_wait3A_371, %dma_wait3A_372, %dma_wait3A_373] : memref<10x128x64xf32, #tpu.memory_space<vmem>> -> memref<1x128x64xf32, #tpu.memory_space<vmem>>
      %dma_wait3A_375 = tpu.memref_squeeze %dma_wait3A_374 : memref<1x128x64xf32, #tpu.memory_space<vmem>> -> memref<128x64xf32, #tpu.memory_space<vmem>>
      %dma_wait3A_376 = tpu.memref_slice %arg5[%mul3A_370] : memref<6400xi32, #tpu.memory_space<vmem>> -> memref<128xi32, #tpu.memory_space<vmem>>
      %dma_wait3A_377 = arith.constant 0 : i32
      %dma_wait3A_378 = arith.constant 0 : i32
      %dma_wait3A_379 = tpu.memref_slice %arg3[%dma_wait3A_377, %dma_wait3A_378] : memref<1000000x64xf32, #tpu.memory_space<hbm>> -> memref<1000000x64xf32, #tpu.memory_space<hbm>>
      tpu.wait_indirect_dma semaphore(%arg10 : memref<!tpu.dma_semaphore, #tpu.memory_space<semaphore_mem>>) src(%dma_wait3A_379 : memref<1000000x64xf32, #tpu.memory_space<hbm>>) dst(%dma_wait3A_375 : memref<128x64xf32, #tpu.memory_space<vmem>>)
      %mul3A_380 = arith.constant 128 : i32
      %mul3A_381 = arith.muli %add3A_368, %mul3A_380 : i32
      %add3A_382 = arith.addi %mul3A_2, %mul3A_381 : i32
      %dma_start3A_383 = arith.constant 3 : i32
      %dma_start3A_384 = arith.constant 0 : i32
      %dma_start3A_385 = arith.constant 0 : i32
      %dma_start3A_386 = tpu.memref_slice %arg6[%dma_start3A_383, %dma_start3A_384, %dma_start3A_385] : memref<10x128x64xf32, #tpu.memory_space<vmem>> -> memref<1x128x64xf32, #tpu.memory_space<vmem>>
      %dma_start3A_387 = tpu.memref_squeeze %dma_start3A_386 : memref<1x128x64xf32, #tpu.memory_space<vmem>> -> memref<128x64xf32, #tpu.memory_space<vmem>>
      %dma_start3A_388 = arith.constant 0 : i32
      %dma_start3A_389 = tpu.memref_slice %arg4[%add3A_382, %dma_start3A_388] : memref<204800x64xf32, #tpu.memory_space<hbm>> -> memref<128x64xf32, #tpu.memory_space<hbm>>
      %dma_start3A_390 = arith.constant 0 : i32
      %dma_start3A_391 = tpu.memref_slice %arg4[%add3A_382, %dma_start3A_390] : memref<204800x64xf32, #tpu.memory_space<hbm>> -> memref<128x64xf32, #tpu.memory_space<hbm>>
      %dma_start3A_392 = arith.constant 0 : i32
      %dma_start3A_393 = arith.constant 0 : i32
      %dma_start3A_394 = tpu.memref_slice %arg6[%dma_start3A_383, %dma_start3A_392, %dma_start3A_393] : memref<10x128x64xf32, #tpu.memory_space<vmem>> -> memref<1x128x64xf32, #tpu.memory_space<vmem>>
      %dma_start3A_395 = tpu.memref_squeeze %dma_start3A_394 : memref<1x128x64xf32, #tpu.memory_space<vmem>> -> memref<128x64xf32, #tpu.memory_space<vmem>>
      tpu.enqueue_dma source(%dma_start3A_395 : memref<128x64xf32, #tpu.memory_space<vmem>>) target(%dma_start3A_391 : memref<128x64xf32, #tpu.memory_space<hbm>>) target_semaphore(%arg20 : memref<!tpu.dma_semaphore, #tpu.memory_space<semaphore_mem>>)
      %lt3A_396 = arith.constant 4 : i32
      %lt3A_397 = arith.cmpi slt, %scan3A_256, %lt3A_396 : i32
      %convert_element_type3A_398 = arith.extui %lt3A_397 : i1 to i32
      %cond3A_399 = arith.constant 3 : i32
      %cond3A_400 = arith.constant 0 : i32
      %cond3A_401 = arith.cmpi ne, %convert_element_type3A_398, %cond3A_400 : i32
      scf.if %cond3A_401 {
        %dma_wait3A_624 = arith.constant 0 : i32
        %dma_wait3A_625 = arith.constant 0 : i32
        %dma_wait3A_626 = tpu.memref_slice %arg6[%cond3A_399, %dma_wait3A_624, %dma_wait3A_625] : memref<10x128x64xf32, #tpu.memory_space<vmem>> -> memref<1x128x64xf32, #tpu.memory_space<vmem>>
        %dma_wait3A_627 = tpu.memref_squeeze %dma_wait3A_626 : memref<1x128x64xf32, #tpu.memory_space<vmem>> -> memref<128x64xf32, #tpu.memory_space<vmem>>
        %dma_wait3A_628 = arith.constant 0 : i32
        %dma_wait3A_629 = tpu.memref_slice %arg4[%add3A_382, %dma_wait3A_628] : memref<204800x64xf32, #tpu.memory_space<hbm>> -> memref<128x64xf32, #tpu.memory_space<hbm>>
        %dma_wait3A_630 = arith.constant 0 : i32
        %dma_wait3A_631 = tpu.memref_slice %arg4[%add3A_382, %dma_wait3A_630] : memref<204800x64xf32, #tpu.memory_space<hbm>> -> memref<128x64xf32, #tpu.memory_space<hbm>>
        %dma_wait3A_632 = arith.constant 0 : i32
        %dma_wait3A_633 = arith.constant 0 : i32
        %dma_wait3A_634 = tpu.memref_slice %arg6[%cond3A_399, %dma_wait3A_632, %dma_wait3A_633] : memref<10x128x64xf32, #tpu.memory_space<vmem>> -> memref<1x128x64xf32, #tpu.memory_space<vmem>>
        %dma_wait3A_635 = tpu.memref_squeeze %dma_wait3A_634 : memref<1x128x64xf32, #tpu.memory_space<vmem>> -> memref<128x64xf32, #tpu.memory_space<vmem>>
        tpu.wait_dma2 semaphore(%arg20 : memref<!tpu.dma_semaphore, #tpu.memory_space<semaphore_mem>>) src(%dma_wait3A_635 : memref<128x64xf32, #tpu.memory_space<vmem>>) dst(%dma_wait3A_631 : memref<128x64xf32, #tpu.memory_space<hbm>>)
        %add3A_636 = arith.constant 10 : i32
        %add3A_637 = arith.addi %add3A_368, %add3A_636 : i32
        %mul3A_638 = arith.constant 128 : i32
        %mul3A_639 = arith.muli %add3A_637, %mul3A_638 : i32
        %dma_start3A_640 = arith.constant 3 : i32
        %dma_start3A_641 = arith.constant 0 : i32
        %dma_start3A_642 = arith.constant 0 : i32
        %dma_start3A_643 = tpu.memref_slice %arg6[%dma_start3A_640, %dma_start3A_641, %dma_start3A_642] : memref<10x128x64xf32, #tpu.memory_space<vmem>> -> memref<1x128x64xf32, #tpu.memory_space<vmem>>
        %dma_start3A_644 = tpu.memref_squeeze %dma_start3A_643 : memref<1x128x64xf32, #tpu.memory_space<vmem>> -> memref<128x64xf32, #tpu.memory_space<vmem>>
        %dma_start3A_645 = tpu.memref_slice %arg5[%mul3A_639] : memref<6400xi32, #tpu.memory_space<vmem>> -> memref<128xi32, #tpu.memory_space<vmem>>
        %dma_start3A_646 = arith.constant 0 : i32
        %dma_start3A_647 = arith.constant 0 : i32
        %dma_start3A_648 = tpu.memref_slice %arg3[%dma_start3A_646, %dma_start3A_647] : memref<1000000x64xf32, #tpu.memory_space<hbm>> -> memref<1000000x64xf32, #tpu.memory_space<hbm>>
        tpu.enqueue_indirect_dma source(%dma_start3A_648 : memref<1000000x64xf32, #tpu.memory_space<hbm>>) target(%dma_start3A_644 : memref<128x64xf32, #tpu.memory_space<vmem>>) offsets(%dma_start3A_645 : memref<128xi32, #tpu.memory_space<vmem>>) semaphore(%arg10 : memref<!tpu.dma_semaphore, #tpu.memory_space<semaphore_mem>>)
      } else {
      }
      %mul3A_402 = arith.constant 10 : i32
      %mul3A_403 = arith.muli %scan3A_256, %mul3A_402 : i32
      %add3A_404 = arith.constant 4 : i32
      %add3A_405 = arith.addi %mul3A_403, %add3A_404 : i32
      %mul3A_406 = arith.constant 128 : i32
      %mul3A_407 = arith.muli %add3A_405, %mul3A_406 : i32
      %dma_wait3A_408 = arith.constant 4 : i32
      %dma_wait3A_409 = arith.constant 0 : i32
      %dma_wait3A_410 = arith.constant 0 : i32
      %dma_wait3A_411 = tpu.memref_slice %arg6[%dma_wait3A_408, %dma_wait3A_409, %dma_wait3A_410] : memref<10x128x64xf32, #tpu.memory_space<vmem>> -> memref<1x128x64xf32, #tpu.memory_space<vmem>>
      %dma_wait3A_412 = tpu.memref_squeeze %dma_wait3A_411 : memref<1x128x64xf32, #tpu.memory_space<vmem>> -> memref<128x64xf32, #tpu.memory_space<vmem>>
      %dma_wait3A_413 = tpu.memref_slice %arg5[%mul3A_407] : memref<6400xi32, #tpu.memory_space<vmem>> -> memref<128xi32, #tpu.memory_space<vmem>>
      %dma_wait3A_414 = arith.constant 0 : i32
      %dma_wait3A_415 = arith.constant 0 : i32
      %dma_wait3A_416 = tpu.memref_slice %arg3[%dma_wait3A_414, %dma_wait3A_415] : memref<1000000x64xf32, #tpu.memory_space<hbm>> -> memref<1000000x64xf32, #tpu.memory_space<hbm>>
      tpu.wait_indirect_dma semaphore(%arg11 : memref<!tpu.dma_semaphore, #tpu.memory_space<semaphore_mem>>) src(%dma_wait3A_416 : memref<1000000x64xf32, #tpu.memory_space<hbm>>) dst(%dma_wait3A_412 : memref<128x64xf32, #tpu.memory_space<vmem>>)
      %mul3A_417 = arith.constant 128 : i32
      %mul3A_418 = arith.muli %add3A_405, %mul3A_417 : i32
      %add3A_419 = arith.addi %mul3A_2, %mul3A_418 : i32
      %dma_start3A_420 = arith.constant 4 : i32
      %dma_start3A_421 = arith.constant 0 : i32
      %dma_start3A_422 = arith.constant 0 : i32
      %dma_start3A_423 = tpu.memref_slice %arg6[%dma_start3A_420, %dma_start3A_421, %dma_start3A_422] : memref<10x128x64xf32, #tpu.memory_space<vmem>> -> memref<1x128x64xf32, #tpu.memory_space<vmem>>
      %dma_start3A_424 = tpu.memref_squeeze %dma_start3A_423 : memref<1x128x64xf32, #tpu.memory_space<vmem>> -> memref<128x64xf32, #tpu.memory_space<vmem>>
      %dma_start3A_425 = arith.constant 0 : i32
      %dma_start3A_426 = tpu.memref_slice %arg4[%add3A_419, %dma_start3A_425] : memref<204800x64xf32, #tpu.memory_space<hbm>> -> memref<128x64xf32, #tpu.memory_space<hbm>>
      %dma_start3A_427 = arith.constant 0 : i32
      %dma_start3A_428 = tpu.memref_slice %arg4[%add3A_419, %dma_start3A_427] : memref<204800x64xf32, #tpu.memory_space<hbm>> -> memref<128x64xf32, #tpu.memory_space<hbm>>
      %dma_start3A_429 = arith.constant 0 : i32
      %dma_start3A_430 = arith.constant 0 : i32
      %dma_start3A_431 = tpu.memref_slice %arg6[%dma_start3A_420, %dma_start3A_429, %dma_start3A_430] : memref<10x128x64xf32, #tpu.memory_space<vmem>> -> memref<1x128x64xf32, #tpu.memory_space<vmem>>
      %dma_start3A_432 = tpu.memref_squeeze %dma_start3A_431 : memref<1x128x64xf32, #tpu.memory_space<vmem>> -> memref<128x64xf32, #tpu.memory_space<vmem>>
      tpu.enqueue_dma source(%dma_start3A_432 : memref<128x64xf32, #tpu.memory_space<vmem>>) target(%dma_start3A_428 : memref<128x64xf32, #tpu.memory_space<hbm>>) target_semaphore(%arg21 : memref<!tpu.dma_semaphore, #tpu.memory_space<semaphore_mem>>)
      %lt3A_433 = arith.constant 4 : i32
      %lt3A_434 = arith.cmpi slt, %scan3A_256, %lt3A_433 : i32
      %convert_element_type3A_435 = arith.extui %lt3A_434 : i1 to i32
      %cond3A_436 = arith.constant 4 : i32
      %cond3A_437 = arith.constant 0 : i32
      %cond3A_438 = arith.cmpi ne, %convert_element_type3A_435, %cond3A_437 : i32
      scf.if %cond3A_438 {
        %dma_wait3A_624 = arith.constant 0 : i32
        %dma_wait3A_625 = arith.constant 0 : i32
        %dma_wait3A_626 = tpu.memref_slice %arg6[%cond3A_436, %dma_wait3A_624, %dma_wait3A_625] : memref<10x128x64xf32, #tpu.memory_space<vmem>> -> memref<1x128x64xf32, #tpu.memory_space<vmem>>
        %dma_wait3A_627 = tpu.memref_squeeze %dma_wait3A_626 : memref<1x128x64xf32, #tpu.memory_space<vmem>> -> memref<128x64xf32, #tpu.memory_space<vmem>>
        %dma_wait3A_628 = arith.constant 0 : i32
        %dma_wait3A_629 = tpu.memref_slice %arg4[%add3A_419, %dma_wait3A_628] : memref<204800x64xf32, #tpu.memory_space<hbm>> -> memref<128x64xf32, #tpu.memory_space<hbm>>
        %dma_wait3A_630 = arith.constant 0 : i32
        %dma_wait3A_631 = tpu.memref_slice %arg4[%add3A_419, %dma_wait3A_630] : memref<204800x64xf32, #tpu.memory_space<hbm>> -> memref<128x64xf32, #tpu.memory_space<hbm>>
        %dma_wait3A_632 = arith.constant 0 : i32
        %dma_wait3A_633 = arith.constant 0 : i32
        %dma_wait3A_634 = tpu.memref_slice %arg6[%cond3A_436, %dma_wait3A_632, %dma_wait3A_633] : memref<10x128x64xf32, #tpu.memory_space<vmem>> -> memref<1x128x64xf32, #tpu.memory_space<vmem>>
        %dma_wait3A_635 = tpu.memref_squeeze %dma_wait3A_634 : memref<1x128x64xf32, #tpu.memory_space<vmem>> -> memref<128x64xf32, #tpu.memory_space<vmem>>
        tpu.wait_dma2 semaphore(%arg21 : memref<!tpu.dma_semaphore, #tpu.memory_space<semaphore_mem>>) src(%dma_wait3A_635 : memref<128x64xf32, #tpu.memory_space<vmem>>) dst(%dma_wait3A_631 : memref<128x64xf32, #tpu.memory_space<hbm>>)
        %add3A_636 = arith.constant 10 : i32
        %add3A_637 = arith.addi %add3A_405, %add3A_636 : i32
        %mul3A_638 = arith.constant 128 : i32
        %mul3A_639 = arith.muli %add3A_637, %mul3A_638 : i32
        %dma_start3A_640 = arith.constant 4 : i32
        %dma_start3A_641 = arith.constant 0 : i32
        %dma_start3A_642 = arith.constant 0 : i32
        %dma_start3A_643 = tpu.memref_slice %arg6[%dma_start3A_640, %dma_start3A_641, %dma_start3A_642] : memref<10x128x64xf32, #tpu.memory_space<vmem>> -> memref<1x128x64xf32, #tpu.memory_space<vmem>>
        %dma_start3A_644 = tpu.memref_squeeze %dma_start3A_643 : memref<1x128x64xf32, #tpu.memory_space<vmem>> -> memref<128x64xf32, #tpu.memory_space<vmem>>
        %dma_start3A_645 = tpu.memref_slice %arg5[%mul3A_639] : memref<6400xi32, #tpu.memory_space<vmem>> -> memref<128xi32, #tpu.memory_space<vmem>>
        %dma_start3A_646 = arith.constant 0 : i32
        %dma_start3A_647 = arith.constant 0 : i32
        %dma_start3A_648 = tpu.memref_slice %arg3[%dma_start3A_646, %dma_start3A_647] : memref<1000000x64xf32, #tpu.memory_space<hbm>> -> memref<1000000x64xf32, #tpu.memory_space<hbm>>
        tpu.enqueue_indirect_dma source(%dma_start3A_648 : memref<1000000x64xf32, #tpu.memory_space<hbm>>) target(%dma_start3A_644 : memref<128x64xf32, #tpu.memory_space<vmem>>) offsets(%dma_start3A_645 : memref<128xi32, #tpu.memory_space<vmem>>) semaphore(%arg11 : memref<!tpu.dma_semaphore, #tpu.memory_space<semaphore_mem>>)
      } else {
      }
      %mul3A_439 = arith.constant 10 : i32
      %mul3A_440 = arith.muli %scan3A_256, %mul3A_439 : i32
      %add3A_441 = arith.constant 5 : i32
      %add3A_442 = arith.addi %mul3A_440, %add3A_441 : i32
      %mul3A_443 = arith.constant 128 : i32
      %mul3A_444 = arith.muli %add3A_442, %mul3A_443 : i32
      %dma_wait3A_445 = arith.constant 5 : i32
      %dma_wait3A_446 = arith.constant 0 : i32
      %dma_wait3A_447 = arith.constant 0 : i32
      %dma_wait3A_448 = tpu.memref_slice %arg6[%dma_wait3A_445, %dma_wait3A_446, %dma_wait3A_447] : memref<10x128x64xf32, #tpu.memory_space<vmem>> -> memref<1x128x64xf32, #tpu.memory_space<vmem>>
      %dma_wait3A_449 = tpu.memref_squeeze %dma_wait3A_448 : memref<1x128x64xf32, #tpu.memory_space<vmem>> -> memref<128x64xf32, #tpu.memory_space<vmem>>
      %dma_wait3A_450 = tpu.memref_slice %arg5[%mul3A_444] : memref<6400xi32, #tpu.memory_space<vmem>> -> memref<128xi32, #tpu.memory_space<vmem>>
      %dma_wait3A_451 = arith.constant 0 : i32
      %dma_wait3A_452 = arith.constant 0 : i32
      %dma_wait3A_453 = tpu.memref_slice %arg3[%dma_wait3A_451, %dma_wait3A_452] : memref<1000000x64xf32, #tpu.memory_space<hbm>> -> memref<1000000x64xf32, #tpu.memory_space<hbm>>
      tpu.wait_indirect_dma semaphore(%arg12 : memref<!tpu.dma_semaphore, #tpu.memory_space<semaphore_mem>>) src(%dma_wait3A_453 : memref<1000000x64xf32, #tpu.memory_space<hbm>>) dst(%dma_wait3A_449 : memref<128x64xf32, #tpu.memory_space<vmem>>)
      %mul3A_454 = arith.constant 128 : i32
      %mul3A_455 = arith.muli %add3A_442, %mul3A_454 : i32
      %add3A_456 = arith.addi %mul3A_2, %mul3A_455 : i32
      %dma_start3A_457 = arith.constant 5 : i32
      %dma_start3A_458 = arith.constant 0 : i32
      %dma_start3A_459 = arith.constant 0 : i32
      %dma_start3A_460 = tpu.memref_slice %arg6[%dma_start3A_457, %dma_start3A_458, %dma_start3A_459] : memref<10x128x64xf32, #tpu.memory_space<vmem>> -> memref<1x128x64xf32, #tpu.memory_space<vmem>>
      %dma_start3A_461 = tpu.memref_squeeze %dma_start3A_460 : memref<1x128x64xf32, #tpu.memory_space<vmem>> -> memref<128x64xf32, #tpu.memory_space<vmem>>
      %dma_start3A_462 = arith.constant 0 : i32
      %dma_start3A_463 = tpu.memref_slice %arg4[%add3A_456, %dma_start3A_462] : memref<204800x64xf32, #tpu.memory_space<hbm>> -> memref<128x64xf32, #tpu.memory_space<hbm>>
      %dma_start3A_464 = arith.constant 0 : i32
      %dma_start3A_465 = tpu.memref_slice %arg4[%add3A_456, %dma_start3A_464] : memref<204800x64xf32, #tpu.memory_space<hbm>> -> memref<128x64xf32, #tpu.memory_space<hbm>>
      %dma_start3A_466 = arith.constant 0 : i32
      %dma_start3A_467 = arith.constant 0 : i32
      %dma_start3A_468 = tpu.memref_slice %arg6[%dma_start3A_457, %dma_start3A_466, %dma_start3A_467] : memref<10x128x64xf32, #tpu.memory_space<vmem>> -> memref<1x128x64xf32, #tpu.memory_space<vmem>>
      %dma_start3A_469 = tpu.memref_squeeze %dma_start3A_468 : memref<1x128x64xf32, #tpu.memory_space<vmem>> -> memref<128x64xf32, #tpu.memory_space<vmem>>
      tpu.enqueue_dma source(%dma_start3A_469 : memref<128x64xf32, #tpu.memory_space<vmem>>) target(%dma_start3A_465 : memref<128x64xf32, #tpu.memory_space<hbm>>) target_semaphore(%arg22 : memref<!tpu.dma_semaphore, #tpu.memory_space<semaphore_mem>>)
      %lt3A_470 = arith.constant 4 : i32
      %lt3A_471 = arith.cmpi slt, %scan3A_256, %lt3A_470 : i32
      %convert_element_type3A_472 = arith.extui %lt3A_471 : i1 to i32
      %cond3A_473 = arith.constant 5 : i32
      %cond3A_474 = arith.constant 0 : i32
      %cond3A_475 = arith.cmpi ne, %convert_element_type3A_472, %cond3A_474 : i32
      scf.if %cond3A_475 {
        %dma_wait3A_624 = arith.constant 0 : i32
        %dma_wait3A_625 = arith.constant 0 : i32
        %dma_wait3A_626 = tpu.memref_slice %arg6[%cond3A_473, %dma_wait3A_624, %dma_wait3A_625] : memref<10x128x64xf32, #tpu.memory_space<vmem>> -> memref<1x128x64xf32, #tpu.memory_space<vmem>>
        %dma_wait3A_627 = tpu.memref_squeeze %dma_wait3A_626 : memref<1x128x64xf32, #tpu.memory_space<vmem>> -> memref<128x64xf32, #tpu.memory_space<vmem>>
        %dma_wait3A_628 = arith.constant 0 : i32
        %dma_wait3A_629 = tpu.memref_slice %arg4[%add3A_456, %dma_wait3A_628] : memref<204800x64xf32, #tpu.memory_space<hbm>> -> memref<128x64xf32, #tpu.memory_space<hbm>>
        %dma_wait3A_630 = arith.constant 0 : i32
        %dma_wait3A_631 = tpu.memref_slice %arg4[%add3A_456, %dma_wait3A_630] : memref<204800x64xf32, #tpu.memory_space<hbm>> -> memref<128x64xf32, #tpu.memory_space<hbm>>
        %dma_wait3A_632 = arith.constant 0 : i32
        %dma_wait3A_633 = arith.constant 0 : i32
        %dma_wait3A_634 = tpu.memref_slice %arg6[%cond3A_473, %dma_wait3A_632, %dma_wait3A_633] : memref<10x128x64xf32, #tpu.memory_space<vmem>> -> memref<1x128x64xf32, #tpu.memory_space<vmem>>
        %dma_wait3A_635 = tpu.memref_squeeze %dma_wait3A_634 : memref<1x128x64xf32, #tpu.memory_space<vmem>> -> memref<128x64xf32, #tpu.memory_space<vmem>>
        tpu.wait_dma2 semaphore(%arg22 : memref<!tpu.dma_semaphore, #tpu.memory_space<semaphore_mem>>) src(%dma_wait3A_635 : memref<128x64xf32, #tpu.memory_space<vmem>>) dst(%dma_wait3A_631 : memref<128x64xf32, #tpu.memory_space<hbm>>)
        %add3A_636 = arith.constant 10 : i32
        %add3A_637 = arith.addi %add3A_442, %add3A_636 : i32
        %mul3A_638 = arith.constant 128 : i32
        %mul3A_639 = arith.muli %add3A_637, %mul3A_638 : i32
        %dma_start3A_640 = arith.constant 5 : i32
        %dma_start3A_641 = arith.constant 0 : i32
        %dma_start3A_642 = arith.constant 0 : i32
        %dma_start3A_643 = tpu.memref_slice %arg6[%dma_start3A_640, %dma_start3A_641, %dma_start3A_642] : memref<10x128x64xf32, #tpu.memory_space<vmem>> -> memref<1x128x64xf32, #tpu.memory_space<vmem>>
        %dma_start3A_644 = tpu.memref_squeeze %dma_start3A_643 : memref<1x128x64xf32, #tpu.memory_space<vmem>> -> memref<128x64xf32, #tpu.memory_space<vmem>>
        %dma_start3A_645 = tpu.memref_slice %arg5[%mul3A_639] : memref<6400xi32, #tpu.memory_space<vmem>> -> memref<128xi32, #tpu.memory_space<vmem>>
        %dma_start3A_646 = arith.constant 0 : i32
        %dma_start3A_647 = arith.constant 0 : i32
        %dma_start3A_648 = tpu.memref_slice %arg3[%dma_start3A_646, %dma_start3A_647] : memref<1000000x64xf32, #tpu.memory_space<hbm>> -> memref<1000000x64xf32, #tpu.memory_space<hbm>>
        tpu.enqueue_indirect_dma source(%dma_start3A_648 : memref<1000000x64xf32, #tpu.memory_space<hbm>>) target(%dma_start3A_644 : memref<128x64xf32, #tpu.memory_space<vmem>>) offsets(%dma_start3A_645 : memref<128xi32, #tpu.memory_space<vmem>>) semaphore(%arg12 : memref<!tpu.dma_semaphore, #tpu.memory_space<semaphore_mem>>)
      } else {
      }
      %mul3A_476 = arith.constant 10 : i32
      %mul3A_477 = arith.muli %scan3A_256, %mul3A_476 : i32
      %add3A_478 = arith.constant 6 : i32
      %add3A_479 = arith.addi %mul3A_477, %add3A_478 : i32
      %mul3A_480 = arith.constant 128 : i32
      %mul3A_481 = arith.muli %add3A_479, %mul3A_480 : i32
      %dma_wait3A_482 = arith.constant 6 : i32
      %dma_wait3A_483 = arith.constant 0 : i32
      %dma_wait3A_484 = arith.constant 0 : i32
      %dma_wait3A_485 = tpu.memref_slice %arg6[%dma_wait3A_482, %dma_wait3A_483, %dma_wait3A_484] : memref<10x128x64xf32, #tpu.memory_space<vmem>> -> memref<1x128x64xf32, #tpu.memory_space<vmem>>
      %dma_wait3A_486 = tpu.memref_squeeze %dma_wait3A_485 : memref<1x128x64xf32, #tpu.memory_space<vmem>> -> memref<128x64xf32, #tpu.memory_space<vmem>>
      %dma_wait3A_487 = tpu.memref_slice %arg5[%mul3A_481] : memref<6400xi32, #tpu.memory_space<vmem>> -> memref<128xi32, #tpu.memory_space<vmem>>
      %dma_wait3A_488 = arith.constant 0 : i32
      %dma_wait3A_489 = arith.constant 0 : i32
      %dma_wait3A_490 = tpu.memref_slice %arg3[%dma_wait3A_488, %dma_wait3A_489] : memref<1000000x64xf32, #tpu.memory_space<hbm>> -> memref<1000000x64xf32, #tpu.memory_space<hbm>>
      tpu.wait_indirect_dma semaphore(%arg13 : memref<!tpu.dma_semaphore, #tpu.memory_space<semaphore_mem>>) src(%dma_wait3A_490 : memref<1000000x64xf32, #tpu.memory_space<hbm>>) dst(%dma_wait3A_486 : memref<128x64xf32, #tpu.memory_space<vmem>>)
      %mul3A_491 = arith.constant 128 : i32
      %mul3A_492 = arith.muli %add3A_479, %mul3A_491 : i32
      %add3A_493 = arith.addi %mul3A_2, %mul3A_492 : i32
      %dma_start3A_494 = arith.constant 6 : i32
      %dma_start3A_495 = arith.constant 0 : i32
      %dma_start3A_496 = arith.constant 0 : i32
      %dma_start3A_497 = tpu.memref_slice %arg6[%dma_start3A_494, %dma_start3A_495, %dma_start3A_496] : memref<10x128x64xf32, #tpu.memory_space<vmem>> -> memref<1x128x64xf32, #tpu.memory_space<vmem>>
      %dma_start3A_498 = tpu.memref_squeeze %dma_start3A_497 : memref<1x128x64xf32, #tpu.memory_space<vmem>> -> memref<128x64xf32, #tpu.memory_space<vmem>>
      %dma_start3A_499 = arith.constant 0 : i32
      %dma_start3A_500 = tpu.memref_slice %arg4[%add3A_493, %dma_start3A_499] : memref<204800x64xf32, #tpu.memory_space<hbm>> -> memref<128x64xf32, #tpu.memory_space<hbm>>
      %dma_start3A_501 = arith.constant 0 : i32
      %dma_start3A_502 = tpu.memref_slice %arg4[%add3A_493, %dma_start3A_501] : memref<204800x64xf32, #tpu.memory_space<hbm>> -> memref<128x64xf32, #tpu.memory_space<hbm>>
      %dma_start3A_503 = arith.constant 0 : i32
      %dma_start3A_504 = arith.constant 0 : i32
      %dma_start3A_505 = tpu.memref_slice %arg6[%dma_start3A_494, %dma_start3A_503, %dma_start3A_504] : memref<10x128x64xf32, #tpu.memory_space<vmem>> -> memref<1x128x64xf32, #tpu.memory_space<vmem>>
      %dma_start3A_506 = tpu.memref_squeeze %dma_start3A_505 : memref<1x128x64xf32, #tpu.memory_space<vmem>> -> memref<128x64xf32, #tpu.memory_space<vmem>>
      tpu.enqueue_dma source(%dma_start3A_506 : memref<128x64xf32, #tpu.memory_space<vmem>>) target(%dma_start3A_502 : memref<128x64xf32, #tpu.memory_space<hbm>>) target_semaphore(%arg23 : memref<!tpu.dma_semaphore, #tpu.memory_space<semaphore_mem>>)
      %lt3A_507 = arith.constant 4 : i32
      %lt3A_508 = arith.cmpi slt, %scan3A_256, %lt3A_507 : i32
      %convert_element_type3A_509 = arith.extui %lt3A_508 : i1 to i32
      %cond3A_510 = arith.constant 6 : i32
      %cond3A_511 = arith.constant 0 : i32
      %cond3A_512 = arith.cmpi ne, %convert_element_type3A_509, %cond3A_511 : i32
      scf.if %cond3A_512 {
        %dma_wait3A_624 = arith.constant 0 : i32
        %dma_wait3A_625 = arith.constant 0 : i32
        %dma_wait3A_626 = tpu.memref_slice %arg6[%cond3A_510, %dma_wait3A_624, %dma_wait3A_625] : memref<10x128x64xf32, #tpu.memory_space<vmem>> -> memref<1x128x64xf32, #tpu.memory_space<vmem>>
        %dma_wait3A_627 = tpu.memref_squeeze %dma_wait3A_626 : memref<1x128x64xf32, #tpu.memory_space<vmem>> -> memref<128x64xf32, #tpu.memory_space<vmem>>
        %dma_wait3A_628 = arith.constant 0 : i32
        %dma_wait3A_629 = tpu.memref_slice %arg4[%add3A_493, %dma_wait3A_628] : memref<204800x64xf32, #tpu.memory_space<hbm>> -> memref<128x64xf32, #tpu.memory_space<hbm>>
        %dma_wait3A_630 = arith.constant 0 : i32
        %dma_wait3A_631 = tpu.memref_slice %arg4[%add3A_493, %dma_wait3A_630] : memref<204800x64xf32, #tpu.memory_space<hbm>> -> memref<128x64xf32, #tpu.memory_space<hbm>>
        %dma_wait3A_632 = arith.constant 0 : i32
        %dma_wait3A_633 = arith.constant 0 : i32
        %dma_wait3A_634 = tpu.memref_slice %arg6[%cond3A_510, %dma_wait3A_632, %dma_wait3A_633] : memref<10x128x64xf32, #tpu.memory_space<vmem>> -> memref<1x128x64xf32, #tpu.memory_space<vmem>>
        %dma_wait3A_635 = tpu.memref_squeeze %dma_wait3A_634 : memref<1x128x64xf32, #tpu.memory_space<vmem>> -> memref<128x64xf32, #tpu.memory_space<vmem>>
        tpu.wait_dma2 semaphore(%arg23 : memref<!tpu.dma_semaphore, #tpu.memory_space<semaphore_mem>>) src(%dma_wait3A_635 : memref<128x64xf32, #tpu.memory_space<vmem>>) dst(%dma_wait3A_631 : memref<128x64xf32, #tpu.memory_space<hbm>>)
        %add3A_636 = arith.constant 10 : i32
        %add3A_637 = arith.addi %add3A_479, %add3A_636 : i32
        %mul3A_638 = arith.constant 128 : i32
        %mul3A_639 = arith.muli %add3A_637, %mul3A_638 : i32
        %dma_start3A_640 = arith.constant 6 : i32
        %dma_start3A_641 = arith.constant 0 : i32
        %dma_start3A_642 = arith.constant 0 : i32
        %dma_start3A_643 = tpu.memref_slice %arg6[%dma_start3A_640, %dma_start3A_641, %dma_start3A_642] : memref<10x128x64xf32, #tpu.memory_space<vmem>> -> memref<1x128x64xf32, #tpu.memory_space<vmem>>
        %dma_start3A_644 = tpu.memref_squeeze %dma_start3A_643 : memref<1x128x64xf32, #tpu.memory_space<vmem>> -> memref<128x64xf32, #tpu.memory_space<vmem>>
        %dma_start3A_645 = tpu.memref_slice %arg5[%mul3A_639] : memref<6400xi32, #tpu.memory_space<vmem>> -> memref<128xi32, #tpu.memory_space<vmem>>
        %dma_start3A_646 = arith.constant 0 : i32
        %dma_start3A_647 = arith.constant 0 : i32
        %dma_start3A_648 = tpu.memref_slice %arg3[%dma_start3A_646, %dma_start3A_647] : memref<1000000x64xf32, #tpu.memory_space<hbm>> -> memref<1000000x64xf32, #tpu.memory_space<hbm>>
        tpu.enqueue_indirect_dma source(%dma_start3A_648 : memref<1000000x64xf32, #tpu.memory_space<hbm>>) target(%dma_start3A_644 : memref<128x64xf32, #tpu.memory_space<vmem>>) offsets(%dma_start3A_645 : memref<128xi32, #tpu.memory_space<vmem>>) semaphore(%arg13 : memref<!tpu.dma_semaphore, #tpu.memory_space<semaphore_mem>>)
      } else {
      }
      %mul3A_513 = arith.constant 10 : i32
      %mul3A_514 = arith.muli %scan3A_256, %mul3A_513 : i32
      %add3A_515 = arith.constant 7 : i32
      %add3A_516 = arith.addi %mul3A_514, %add3A_515 : i32
      %mul3A_517 = arith.constant 128 : i32
      %mul3A_518 = arith.muli %add3A_516, %mul3A_517 : i32
      %dma_wait3A_519 = arith.constant 7 : i32
      %dma_wait3A_520 = arith.constant 0 : i32
      %dma_wait3A_521 = arith.constant 0 : i32
      %dma_wait3A_522 = tpu.memref_slice %arg6[%dma_wait3A_519, %dma_wait3A_520, %dma_wait3A_521] : memref<10x128x64xf32, #tpu.memory_space<vmem>> -> memref<1x128x64xf32, #tpu.memory_space<vmem>>
      %dma_wait3A_523 = tpu.memref_squeeze %dma_wait3A_522 : memref<1x128x64xf32, #tpu.memory_space<vmem>> -> memref<128x64xf32, #tpu.memory_space<vmem>>
      %dma_wait3A_524 = tpu.memref_slice %arg5[%mul3A_518] : memref<6400xi32, #tpu.memory_space<vmem>> -> memref<128xi32, #tpu.memory_space<vmem>>
      %dma_wait3A_525 = arith.constant 0 : i32
      %dma_wait3A_526 = arith.constant 0 : i32
      %dma_wait3A_527 = tpu.memref_slice %arg3[%dma_wait3A_525, %dma_wait3A_526] : memref<1000000x64xf32, #tpu.memory_space<hbm>> -> memref<1000000x64xf32, #tpu.memory_space<hbm>>
      tpu.wait_indirect_dma semaphore(%arg14 : memref<!tpu.dma_semaphore, #tpu.memory_space<semaphore_mem>>) src(%dma_wait3A_527 : memref<1000000x64xf32, #tpu.memory_space<hbm>>) dst(%dma_wait3A_523 : memref<128x64xf32, #tpu.memory_space<vmem>>)
      %mul3A_528 = arith.constant 128 : i32
      %mul3A_529 = arith.muli %add3A_516, %mul3A_528 : i32
      %add3A_530 = arith.addi %mul3A_2, %mul3A_529 : i32
      %dma_start3A_531 = arith.constant 7 : i32
      %dma_start3A_532 = arith.constant 0 : i32
      %dma_start3A_533 = arith.constant 0 : i32
      %dma_start3A_534 = tpu.memref_slice %arg6[%dma_start3A_531, %dma_start3A_532, %dma_start3A_533] : memref<10x128x64xf32, #tpu.memory_space<vmem>> -> memref<1x128x64xf32, #tpu.memory_space<vmem>>
      %dma_start3A_535 = tpu.memref_squeeze %dma_start3A_534 : memref<1x128x64xf32, #tpu.memory_space<vmem>> -> memref<128x64xf32, #tpu.memory_space<vmem>>
      %dma_start3A_536 = arith.constant 0 : i32
      %dma_start3A_537 = tpu.memref_slice %arg4[%add3A_530, %dma_start3A_536] : memref<204800x64xf32, #tpu.memory_space<hbm>> -> memref<128x64xf32, #tpu.memory_space<hbm>>
      %dma_start3A_538 = arith.constant 0 : i32
      %dma_start3A_539 = tpu.memref_slice %arg4[%add3A_530, %dma_start3A_538] : memref<204800x64xf32, #tpu.memory_space<hbm>> -> memref<128x64xf32, #tpu.memory_space<hbm>>
      %dma_start3A_540 = arith.constant 0 : i32
      %dma_start3A_541 = arith.constant 0 : i32
      %dma_start3A_542 = tpu.memref_slice %arg6[%dma_start3A_531, %dma_start3A_540, %dma_start3A_541] : memref<10x128x64xf32, #tpu.memory_space<vmem>> -> memref<1x128x64xf32, #tpu.memory_space<vmem>>
      %dma_start3A_543 = tpu.memref_squeeze %dma_start3A_542 : memref<1x128x64xf32, #tpu.memory_space<vmem>> -> memref<128x64xf32, #tpu.memory_space<vmem>>
      tpu.enqueue_dma source(%dma_start3A_543 : memref<128x64xf32, #tpu.memory_space<vmem>>) target(%dma_start3A_539 : memref<128x64xf32, #tpu.memory_space<hbm>>) target_semaphore(%arg24 : memref<!tpu.dma_semaphore, #tpu.memory_space<semaphore_mem>>)
      %lt3A_544 = arith.constant 4 : i32
      %lt3A_545 = arith.cmpi slt, %scan3A_256, %lt3A_544 : i32
      %convert_element_type3A_546 = arith.extui %lt3A_545 : i1 to i32
      %cond3A_547 = arith.constant 7 : i32
      %cond3A_548 = arith.constant 0 : i32
      %cond3A_549 = arith.cmpi ne, %convert_element_type3A_546, %cond3A_548 : i32
      scf.if %cond3A_549 {
        %dma_wait3A_624 = arith.constant 0 : i32
        %dma_wait3A_625 = arith.constant 0 : i32
        %dma_wait3A_626 = tpu.memref_slice %arg6[%cond3A_547, %dma_wait3A_624, %dma_wait3A_625] : memref<10x128x64xf32, #tpu.memory_space<vmem>> -> memref<1x128x64xf32, #tpu.memory_space<vmem>>
        %dma_wait3A_627 = tpu.memref_squeeze %dma_wait3A_626 : memref<1x128x64xf32, #tpu.memory_space<vmem>> -> memref<128x64xf32, #tpu.memory_space<vmem>>
        %dma_wait3A_628 = arith.constant 0 : i32
        %dma_wait3A_629 = tpu.memref_slice %arg4[%add3A_530, %dma_wait3A_628] : memref<204800x64xf32, #tpu.memory_space<hbm>> -> memref<128x64xf32, #tpu.memory_space<hbm>>
        %dma_wait3A_630 = arith.constant 0 : i32
        %dma_wait3A_631 = tpu.memref_slice %arg4[%add3A_530, %dma_wait3A_630] : memref<204800x64xf32, #tpu.memory_space<hbm>> -> memref<128x64xf32, #tpu.memory_space<hbm>>
        %dma_wait3A_632 = arith.constant 0 : i32
        %dma_wait3A_633 = arith.constant 0 : i32
        %dma_wait3A_634 = tpu.memref_slice %arg6[%cond3A_547, %dma_wait3A_632, %dma_wait3A_633] : memref<10x128x64xf32, #tpu.memory_space<vmem>> -> memref<1x128x64xf32, #tpu.memory_space<vmem>>
        %dma_wait3A_635 = tpu.memref_squeeze %dma_wait3A_634 : memref<1x128x64xf32, #tpu.memory_space<vmem>> -> memref<128x64xf32, #tpu.memory_space<vmem>>
        tpu.wait_dma2 semaphore(%arg24 : memref<!tpu.dma_semaphore, #tpu.memory_space<semaphore_mem>>) src(%dma_wait3A_635 : memref<128x64xf32, #tpu.memory_space<vmem>>) dst(%dma_wait3A_631 : memref<128x64xf32, #tpu.memory_space<hbm>>)
        %add3A_636 = arith.constant 10 : i32
        %add3A_637 = arith.addi %add3A_516, %add3A_636 : i32
        %mul3A_638 = arith.constant 128 : i32
        %mul3A_639 = arith.muli %add3A_637, %mul3A_638 : i32
        %dma_start3A_640 = arith.constant 7 : i32
        %dma_start3A_641 = arith.constant 0 : i32
        %dma_start3A_642 = arith.constant 0 : i32
        %dma_start3A_643 = tpu.memref_slice %arg6[%dma_start3A_640, %dma_start3A_641, %dma_start3A_642] : memref<10x128x64xf32, #tpu.memory_space<vmem>> -> memref<1x128x64xf32, #tpu.memory_space<vmem>>
        %dma_start3A_644 = tpu.memref_squeeze %dma_start3A_643 : memref<1x128x64xf32, #tpu.memory_space<vmem>> -> memref<128x64xf32, #tpu.memory_space<vmem>>
        %dma_start3A_645 = tpu.memref_slice %arg5[%mul3A_639] : memref<6400xi32, #tpu.memory_space<vmem>> -> memref<128xi32, #tpu.memory_space<vmem>>
        %dma_start3A_646 = arith.constant 0 : i32
        %dma_start3A_647 = arith.constant 0 : i32
        %dma_start3A_648 = tpu.memref_slice %arg3[%dma_start3A_646, %dma_start3A_647] : memref<1000000x64xf32, #tpu.memory_space<hbm>> -> memref<1000000x64xf32, #tpu.memory_space<hbm>>
        tpu.enqueue_indirect_dma source(%dma_start3A_648 : memref<1000000x64xf32, #tpu.memory_space<hbm>>) target(%dma_start3A_644 : memref<128x64xf32, #tpu.memory_space<vmem>>) offsets(%dma_start3A_645 : memref<128xi32, #tpu.memory_space<vmem>>) semaphore(%arg14 : memref<!tpu.dma_semaphore, #tpu.memory_space<semaphore_mem>>)
      } else {
      }
      %mul3A_550 = arith.constant 10 : i32
      %mul3A_551 = arith.muli %scan3A_256, %mul3A_550 : i32
      %add3A_552 = arith.constant 8 : i32
      %add3A_553 = arith.addi %mul3A_551, %add3A_552 : i32
      %mul3A_554 = arith.constant 128 : i32
      %mul3A_555 = arith.muli %add3A_553, %mul3A_554 : i32
      %dma_wait3A_556 = arith.constant 8 : i32
      %dma_wait3A_557 = arith.constant 0 : i32
      %dma_wait3A_558 = arith.constant 0 : i32
      %dma_wait3A_559 = tpu.memref_slice %arg6[%dma_wait3A_556, %dma_wait3A_557, %dma_wait3A_558] : memref<10x128x64xf32, #tpu.memory_space<vmem>> -> memref<1x128x64xf32, #tpu.memory_space<vmem>>
      %dma_wait3A_560 = tpu.memref_squeeze %dma_wait3A_559 : memref<1x128x64xf32, #tpu.memory_space<vmem>> -> memref<128x64xf32, #tpu.memory_space<vmem>>
      %dma_wait3A_561 = tpu.memref_slice %arg5[%mul3A_555] : memref<6400xi32, #tpu.memory_space<vmem>> -> memref<128xi32, #tpu.memory_space<vmem>>
      %dma_wait3A_562 = arith.constant 0 : i32
      %dma_wait3A_563 = arith.constant 0 : i32
      %dma_wait3A_564 = tpu.memref_slice %arg3[%dma_wait3A_562, %dma_wait3A_563] : memref<1000000x64xf32, #tpu.memory_space<hbm>> -> memref<1000000x64xf32, #tpu.memory_space<hbm>>
      tpu.wait_indirect_dma semaphore(%arg15 : memref<!tpu.dma_semaphore, #tpu.memory_space<semaphore_mem>>) src(%dma_wait3A_564 : memref<1000000x64xf32, #tpu.memory_space<hbm>>) dst(%dma_wait3A_560 : memref<128x64xf32, #tpu.memory_space<vmem>>)
      %mul3A_565 = arith.constant 128 : i32
      %mul3A_566 = arith.muli %add3A_553, %mul3A_565 : i32
      %add3A_567 = arith.addi %mul3A_2, %mul3A_566 : i32
      %dma_start3A_568 = arith.constant 8 : i32
      %dma_start3A_569 = arith.constant 0 : i32
      %dma_start3A_570 = arith.constant 0 : i32
      %dma_start3A_571 = tpu.memref_slice %arg6[%dma_start3A_568, %dma_start3A_569, %dma_start3A_570] : memref<10x128x64xf32, #tpu.memory_space<vmem>> -> memref<1x128x64xf32, #tpu.memory_space<vmem>>
      %dma_start3A_572 = tpu.memref_squeeze %dma_start3A_571 : memref<1x128x64xf32, #tpu.memory_space<vmem>> -> memref<128x64xf32, #tpu.memory_space<vmem>>
      %dma_start3A_573 = arith.constant 0 : i32
      %dma_start3A_574 = tpu.memref_slice %arg4[%add3A_567, %dma_start3A_573] : memref<204800x64xf32, #tpu.memory_space<hbm>> -> memref<128x64xf32, #tpu.memory_space<hbm>>
      %dma_start3A_575 = arith.constant 0 : i32
      %dma_start3A_576 = tpu.memref_slice %arg4[%add3A_567, %dma_start3A_575] : memref<204800x64xf32, #tpu.memory_space<hbm>> -> memref<128x64xf32, #tpu.memory_space<hbm>>
      %dma_start3A_577 = arith.constant 0 : i32
      %dma_start3A_578 = arith.constant 0 : i32
      %dma_start3A_579 = tpu.memref_slice %arg6[%dma_start3A_568, %dma_start3A_577, %dma_start3A_578] : memref<10x128x64xf32, #tpu.memory_space<vmem>> -> memref<1x128x64xf32, #tpu.memory_space<vmem>>
      %dma_start3A_580 = tpu.memref_squeeze %dma_start3A_579 : memref<1x128x64xf32, #tpu.memory_space<vmem>> -> memref<128x64xf32, #tpu.memory_space<vmem>>
      tpu.enqueue_dma source(%dma_start3A_580 : memref<128x64xf32, #tpu.memory_space<vmem>>) target(%dma_start3A_576 : memref<128x64xf32, #tpu.memory_space<hbm>>) target_semaphore(%arg25 : memref<!tpu.dma_semaphore, #tpu.memory_space<semaphore_mem>>)
      %lt3A_581 = arith.constant 4 : i32
      %lt3A_582 = arith.cmpi slt, %scan3A_256, %lt3A_581 : i32
      %convert_element_type3A_583 = arith.extui %lt3A_582 : i1 to i32
      %cond3A_584 = arith.constant 8 : i32
      %cond3A_585 = arith.constant 0 : i32
      %cond3A_586 = arith.cmpi ne, %convert_element_type3A_583, %cond3A_585 : i32
      scf.if %cond3A_586 {
        %dma_wait3A_624 = arith.constant 0 : i32
        %dma_wait3A_625 = arith.constant 0 : i32
        %dma_wait3A_626 = tpu.memref_slice %arg6[%cond3A_584, %dma_wait3A_624, %dma_wait3A_625] : memref<10x128x64xf32, #tpu.memory_space<vmem>> -> memref<1x128x64xf32, #tpu.memory_space<vmem>>
        %dma_wait3A_627 = tpu.memref_squeeze %dma_wait3A_626 : memref<1x128x64xf32, #tpu.memory_space<vmem>> -> memref<128x64xf32, #tpu.memory_space<vmem>>
        %dma_wait3A_628 = arith.constant 0 : i32
        %dma_wait3A_629 = tpu.memref_slice %arg4[%add3A_567, %dma_wait3A_628] : memref<204800x64xf32, #tpu.memory_space<hbm>> -> memref<128x64xf32, #tpu.memory_space<hbm>>
        %dma_wait3A_630 = arith.constant 0 : i32
        %dma_wait3A_631 = tpu.memref_slice %arg4[%add3A_567, %dma_wait3A_630] : memref<204800x64xf32, #tpu.memory_space<hbm>> -> memref<128x64xf32, #tpu.memory_space<hbm>>
        %dma_wait3A_632 = arith.constant 0 : i32
        %dma_wait3A_633 = arith.constant 0 : i32
        %dma_wait3A_634 = tpu.memref_slice %arg6[%cond3A_584, %dma_wait3A_632, %dma_wait3A_633] : memref<10x128x64xf32, #tpu.memory_space<vmem>> -> memref<1x128x64xf32, #tpu.memory_space<vmem>>
        %dma_wait3A_635 = tpu.memref_squeeze %dma_wait3A_634 : memref<1x128x64xf32, #tpu.memory_space<vmem>> -> memref<128x64xf32, #tpu.memory_space<vmem>>
        tpu.wait_dma2 semaphore(%arg25 : memref<!tpu.dma_semaphore, #tpu.memory_space<semaphore_mem>>) src(%dma_wait3A_635 : memref<128x64xf32, #tpu.memory_space<vmem>>) dst(%dma_wait3A_631 : memref<128x64xf32, #tpu.memory_space<hbm>>)
        %add3A_636 = arith.constant 10 : i32
        %add3A_637 = arith.addi %add3A_553, %add3A_636 : i32
        %mul3A_638 = arith.constant 128 : i32
        %mul3A_639 = arith.muli %add3A_637, %mul3A_638 : i32
        %dma_start3A_640 = arith.constant 8 : i32
        %dma_start3A_641 = arith.constant 0 : i32
        %dma_start3A_642 = arith.constant 0 : i32
        %dma_start3A_643 = tpu.memref_slice %arg6[%dma_start3A_640, %dma_start3A_641, %dma_start3A_642] : memref<10x128x64xf32, #tpu.memory_space<vmem>> -> memref<1x128x64xf32, #tpu.memory_space<vmem>>
        %dma_start3A_644 = tpu.memref_squeeze %dma_start3A_643 : memref<1x128x64xf32, #tpu.memory_space<vmem>> -> memref<128x64xf32, #tpu.memory_space<vmem>>
        %dma_start3A_645 = tpu.memref_slice %arg5[%mul3A_639] : memref<6400xi32, #tpu.memory_space<vmem>> -> memref<128xi32, #tpu.memory_space<vmem>>
        %dma_start3A_646 = arith.constant 0 : i32
        %dma_start3A_647 = arith.constant 0 : i32
        %dma_start3A_648 = tpu.memref_slice %arg3[%dma_start3A_646, %dma_start3A_647] : memref<1000000x64xf32, #tpu.memory_space<hbm>> -> memref<1000000x64xf32, #tpu.memory_space<hbm>>
        tpu.enqueue_indirect_dma source(%dma_start3A_648 : memref<1000000x64xf32, #tpu.memory_space<hbm>>) target(%dma_start3A_644 : memref<128x64xf32, #tpu.memory_space<vmem>>) offsets(%dma_start3A_645 : memref<128xi32, #tpu.memory_space<vmem>>) semaphore(%arg15 : memref<!tpu.dma_semaphore, #tpu.memory_space<semaphore_mem>>)
      } else {
      }
      %mul3A_587 = arith.constant 10 : i32
      %mul3A_588 = arith.muli %scan3A_256, %mul3A_587 : i32
      %add3A_589 = arith.constant 9 : i32
      %add3A_590 = arith.addi %mul3A_588, %add3A_589 : i32
      %mul3A_591 = arith.constant 128 : i32
      %mul3A_592 = arith.muli %add3A_590, %mul3A_591 : i32
      %dma_wait3A_593 = arith.constant 9 : i32
      %dma_wait3A_594 = arith.constant 0 : i32
      %dma_wait3A_595 = arith.constant 0 : i32
      %dma_wait3A_596 = tpu.memref_slice %arg6[%dma_wait3A_593, %dma_wait3A_594, %dma_wait3A_595] : memref<10x128x64xf32, #tpu.memory_space<vmem>> -> memref<1x128x64xf32, #tpu.memory_space<vmem>>
      %dma_wait3A_597 = tpu.memref_squeeze %dma_wait3A_596 : memref<1x128x64xf32, #tpu.memory_space<vmem>> -> memref<128x64xf32, #tpu.memory_space<vmem>>
      %dma_wait3A_598 = tpu.memref_slice %arg5[%mul3A_592] : memref<6400xi32, #tpu.memory_space<vmem>> -> memref<128xi32, #tpu.memory_space<vmem>>
      %dma_wait3A_599 = arith.constant 0 : i32
      %dma_wait3A_600 = arith.constant 0 : i32
      %dma_wait3A_601 = tpu.memref_slice %arg3[%dma_wait3A_599, %dma_wait3A_600] : memref<1000000x64xf32, #tpu.memory_space<hbm>> -> memref<1000000x64xf32, #tpu.memory_space<hbm>>
      tpu.wait_indirect_dma semaphore(%arg16 : memref<!tpu.dma_semaphore, #tpu.memory_space<semaphore_mem>>) src(%dma_wait3A_601 : memref<1000000x64xf32, #tpu.memory_space<hbm>>) dst(%dma_wait3A_597 : memref<128x64xf32, #tpu.memory_space<vmem>>)
      %mul3A_602 = arith.constant 128 : i32
      %mul3A_603 = arith.muli %add3A_590, %mul3A_602 : i32
      %add3A_604 = arith.addi %mul3A_2, %mul3A_603 : i32
      %dma_start3A_605 = arith.constant 9 : i32
      %dma_start3A_606 = arith.constant 0 : i32
      %dma_start3A_607 = arith.constant 0 : i32
      %dma_start3A_608 = tpu.memref_slice %arg6[%dma_start3A_605, %dma_start3A_606, %dma_start3A_607] : memref<10x128x64xf32, #tpu.memory_space<vmem>> -> memref<1x128x64xf32, #tpu.memory_space<vmem>>
      %dma_start3A_609 = tpu.memref_squeeze %dma_start3A_608 : memref<1x128x64xf32, #tpu.memory_space<vmem>> -> memref<128x64xf32, #tpu.memory_space<vmem>>
      %dma_start3A_610 = arith.constant 0 : i32
      %dma_start3A_611 = tpu.memref_slice %arg4[%add3A_604, %dma_start3A_610] : memref<204800x64xf32, #tpu.memory_space<hbm>> -> memref<128x64xf32, #tpu.memory_space<hbm>>
      %dma_start3A_612 = arith.constant 0 : i32
      %dma_start3A_613 = tpu.memref_slice %arg4[%add3A_604, %dma_start3A_612] : memref<204800x64xf32, #tpu.memory_space<hbm>> -> memref<128x64xf32, #tpu.memory_space<hbm>>
      %dma_start3A_614 = arith.constant 0 : i32
      %dma_start3A_615 = arith.constant 0 : i32
      %dma_start3A_616 = tpu.memref_slice %arg6[%dma_start3A_605, %dma_start3A_614, %dma_start3A_615] : memref<10x128x64xf32, #tpu.memory_space<vmem>> -> memref<1x128x64xf32, #tpu.memory_space<vmem>>
      %dma_start3A_617 = tpu.memref_squeeze %dma_start3A_616 : memref<1x128x64xf32, #tpu.memory_space<vmem>> -> memref<128x64xf32, #tpu.memory_space<vmem>>
      tpu.enqueue_dma source(%dma_start3A_617 : memref<128x64xf32, #tpu.memory_space<vmem>>) target(%dma_start3A_613 : memref<128x64xf32, #tpu.memory_space<hbm>>) target_semaphore(%arg26 : memref<!tpu.dma_semaphore, #tpu.memory_space<semaphore_mem>>)
      %lt3A_618 = arith.constant 4 : i32
      %lt3A_619 = arith.cmpi slt, %scan3A_256, %lt3A_618 : i32
      %convert_element_type3A_620 = arith.extui %lt3A_619 : i1 to i32
      %cond3A_621 = arith.constant 9 : i32
      %cond3A_622 = arith.constant 0 : i32
      %cond3A_623 = arith.cmpi ne, %convert_element_type3A_620, %cond3A_622 : i32
      scf.if %cond3A_623 {
        %dma_wait3A_624 = arith.constant 0 : i32
        %dma_wait3A_625 = arith.constant 0 : i32
        %dma_wait3A_626 = tpu.memref_slice %arg6[%cond3A_621, %dma_wait3A_624, %dma_wait3A_625] : memref<10x128x64xf32, #tpu.memory_space<vmem>> -> memref<1x128x64xf32, #tpu.memory_space<vmem>>
        %dma_wait3A_627 = tpu.memref_squeeze %dma_wait3A_626 : memref<1x128x64xf32, #tpu.memory_space<vmem>> -> memref<128x64xf32, #tpu.memory_space<vmem>>
        %dma_wait3A_628 = arith.constant 0 : i32
        %dma_wait3A_629 = tpu.memref_slice %arg4[%add3A_604, %dma_wait3A_628] : memref<204800x64xf32, #tpu.memory_space<hbm>> -> memref<128x64xf32, #tpu.memory_space<hbm>>
        %dma_wait3A_630 = arith.constant 0 : i32
        %dma_wait3A_631 = tpu.memref_slice %arg4[%add3A_604, %dma_wait3A_630] : memref<204800x64xf32, #tpu.memory_space<hbm>> -> memref<128x64xf32, #tpu.memory_space<hbm>>
        %dma_wait3A_632 = arith.constant 0 : i32
        %dma_wait3A_633 = arith.constant 0 : i32
        %dma_wait3A_634 = tpu.memref_slice %arg6[%cond3A_621, %dma_wait3A_632, %dma_wait3A_633] : memref<10x128x64xf32, #tpu.memory_space<vmem>> -> memref<1x128x64xf32, #tpu.memory_space<vmem>>
        %dma_wait3A_635 = tpu.memref_squeeze %dma_wait3A_634 : memref<1x128x64xf32, #tpu.memory_space<vmem>> -> memref<128x64xf32, #tpu.memory_space<vmem>>
        tpu.wait_dma2 semaphore(%arg26 : memref<!tpu.dma_semaphore, #tpu.memory_space<semaphore_mem>>) src(%dma_wait3A_635 : memref<128x64xf32, #tpu.memory_space<vmem>>) dst(%dma_wait3A_631 : memref<128x64xf32, #tpu.memory_space<hbm>>)
        %add3A_636 = arith.constant 10 : i32
        %add3A_637 = arith.addi %add3A_590, %add3A_636 : i32
        %mul3A_638 = arith.constant 128 : i32
        %mul3A_639 = arith.muli %add3A_637, %mul3A_638 : i32
        %dma_start3A_640 = arith.constant 9 : i32
        %dma_start3A_641 = arith.constant 0 : i32
        %dma_start3A_642 = arith.constant 0 : i32
        %dma_start3A_643 = tpu.memref_slice %arg6[%dma_start3A_640, %dma_start3A_641, %dma_start3A_642] : memref<10x128x64xf32, #tpu.memory_space<vmem>> -> memref<1x128x64xf32, #tpu.memory_space<vmem>>
        %dma_start3A_644 = tpu.memref_squeeze %dma_start3A_643 : memref<1x128x64xf32, #tpu.memory_space<vmem>> -> memref<128x64xf32, #tpu.memory_space<vmem>>
        %dma_start3A_645 = tpu.memref_slice %arg5[%mul3A_639] : memref<6400xi32, #tpu.memory_space<vmem>> -> memref<128xi32, #tpu.memory_space<vmem>>
        %dma_start3A_646 = arith.constant 0 : i32
        %dma_start3A_647 = arith.constant 0 : i32
        %dma_start3A_648 = tpu.memref_slice %arg3[%dma_start3A_646, %dma_start3A_647] : memref<1000000x64xf32, #tpu.memory_space<hbm>> -> memref<1000000x64xf32, #tpu.memory_space<hbm>>
        tpu.enqueue_indirect_dma source(%dma_start3A_648 : memref<1000000x64xf32, #tpu.memory_space<hbm>>) target(%dma_start3A_644 : memref<128x64xf32, #tpu.memory_space<vmem>>) offsets(%dma_start3A_645 : memref<128xi32, #tpu.memory_space<vmem>>) semaphore(%arg16 : memref<!tpu.dma_semaphore, #tpu.memory_space<semaphore_mem>>)
      } else {
      }
    }
    %scan3A_106 = arith.constant 5 : i32
    %add3A_107 = arith.constant 5120 : i32
    %add3A_108 = arith.addi %mul3A_2, %add3A_107 : i32
    %dma_wait3A = arith.constant 0 : i32
    %dma_wait3A_109 = arith.constant 0 : i32
    %dma_wait3A_110 = arith.constant 0 : i32
    %dma_wait3A_111 = tpu.memref_slice %arg6[%dma_wait3A, %dma_wait3A_109, %dma_wait3A_110] : memref<10x128x64xf32, #tpu.memory_space<vmem>> -> memref<1x128x64xf32, #tpu.memory_space<vmem>>
    %dma_wait3A_112 = tpu.memref_squeeze %dma_wait3A_111 : memref<1x128x64xf32, #tpu.memory_space<vmem>> -> memref<128x64xf32, #tpu.memory_space<vmem>>
    %dma_wait3A_113 = arith.constant 0 : i32
    %dma_wait3A_114 = tpu.memref_slice %arg4[%add3A_108, %dma_wait3A_113] : memref<204800x64xf32, #tpu.memory_space<hbm>> -> memref<128x64xf32, #tpu.memory_space<hbm>>
    %dma_wait3A_115 = arith.constant 0 : i32
    %dma_wait3A_116 = tpu.memref_slice %arg4[%add3A_108, %dma_wait3A_115] : memref<204800x64xf32, #tpu.memory_space<hbm>> -> memref<128x64xf32, #tpu.memory_space<hbm>>
    %dma_wait3A_117 = arith.constant 0 : i32
    %dma_wait3A_118 = arith.constant 0 : i32
    %dma_wait3A_119 = tpu.memref_slice %arg6[%dma_wait3A, %dma_wait3A_117, %dma_wait3A_118] : memref<10x128x64xf32, #tpu.memory_space<vmem>> -> memref<1x128x64xf32, #tpu.memory_space<vmem>>
    %dma_wait3A_120 = tpu.memref_squeeze %dma_wait3A_119 : memref<1x128x64xf32, #tpu.memory_space<vmem>> -> memref<128x64xf32, #tpu.memory_space<vmem>>
    tpu.wait_dma2 semaphore(%arg17 : memref<!tpu.dma_semaphore, #tpu.memory_space<semaphore_mem>>) src(%dma_wait3A_120 : memref<128x64xf32, #tpu.memory_space<vmem>>) dst(%dma_wait3A_116 : memref<128x64xf32, #tpu.memory_space<hbm>>)
    %add3A_121 = arith.constant 5248 : i32
    %add3A_122 = arith.addi %mul3A_2, %add3A_121 : i32
    %dma_wait3A_123 = arith.constant 1 : i32
    %dma_wait3A_124 = arith.constant 0 : i32
    %dma_wait3A_125 = arith.constant 0 : i32
    %dma_wait3A_126 = tpu.memref_slice %arg6[%dma_wait3A_123, %dma_wait3A_124, %dma_wait3A_125] : memref<10x128x64xf32, #tpu.memory_space<vmem>> -> memref<1x128x64xf32, #tpu.memory_space<vmem>>
    %dma_wait3A_127 = tpu.memref_squeeze %dma_wait3A_126 : memref<1x128x64xf32, #tpu.memory_space<vmem>> -> memref<128x64xf32, #tpu.memory_space<vmem>>
    %dma_wait3A_128 = arith.constant 0 : i32
    %dma_wait3A_129 = tpu.memref_slice %arg4[%add3A_122, %dma_wait3A_128] : memref<204800x64xf32, #tpu.memory_space<hbm>> -> memref<128x64xf32, #tpu.memory_space<hbm>>
    %dma_wait3A_130 = arith.constant 0 : i32
    %dma_wait3A_131 = tpu.memref_slice %arg4[%add3A_122, %dma_wait3A_130] : memref<204800x64xf32, #tpu.memory_space<hbm>> -> memref<128x64xf32, #tpu.memory_space<hbm>>
    %dma_wait3A_132 = arith.constant 0 : i32
    %dma_wait3A_133 = arith.constant 0 : i32
    %dma_wait3A_134 = tpu.memref_slice %arg6[%dma_wait3A_123, %dma_wait3A_132, %dma_wait3A_133] : memref<10x128x64xf32, #tpu.memory_space<vmem>> -> memref<1x128x64xf32, #tpu.memory_space<vmem>>
    %dma_wait3A_135 = tpu.memref_squeeze %dma_wait3A_134 : memref<1x128x64xf32, #tpu.memory_space<vmem>> -> memref<128x64xf32, #tpu.memory_space<vmem>>
    tpu.wait_dma2 semaphore(%arg18 : memref<!tpu.dma_semaphore, #tpu.memory_space<semaphore_mem>>) src(%dma_wait3A_135 : memref<128x64xf32, #tpu.memory_space<vmem>>) dst(%dma_wait3A_131 : memref<128x64xf32, #tpu.memory_space<hbm>>)
    %add3A_136 = arith.constant 5376 : i32
    %add3A_137 = arith.addi %mul3A_2, %add3A_136 : i32
    %dma_wait3A_138 = arith.constant 2 : i32
    %dma_wait3A_139 = arith.constant 0 : i32
    %dma_wait3A_140 = arith.constant 0 : i32
    %dma_wait3A_141 = tpu.memref_slice %arg6[%dma_wait3A_138, %dma_wait3A_139, %dma_wait3A_140] : memref<10x128x64xf32, #tpu.memory_space<vmem>> -> memref<1x128x64xf32, #tpu.memory_space<vmem>>
    %dma_wait3A_142 = tpu.memref_squeeze %dma_wait3A_141 : memref<1x128x64xf32, #tpu.memory_space<vmem>> -> memref<128x64xf32, #tpu.memory_space<vmem>>
    %dma_wait3A_143 = arith.constant 0 : i32
    %dma_wait3A_144 = tpu.memref_slice %arg4[%add3A_137, %dma_wait3A_143] : memref<204800x64xf32, #tpu.memory_space<hbm>> -> memref<128x64xf32, #tpu.memory_space<hbm>>
    %dma_wait3A_145 = arith.constant 0 : i32
    %dma_wait3A_146 = tpu.memref_slice %arg4[%add3A_137, %dma_wait3A_145] : memref<204800x64xf32, #tpu.memory_space<hbm>> -> memref<128x64xf32, #tpu.memory_space<hbm>>
    %dma_wait3A_147 = arith.constant 0 : i32
    %dma_wait3A_148 = arith.constant 0 : i32
    %dma_wait3A_149 = tpu.memref_slice %arg6[%dma_wait3A_138, %dma_wait3A_147, %dma_wait3A_148] : memref<10x128x64xf32, #tpu.memory_space<vmem>> -> memref<1x128x64xf32, #tpu.memory_space<vmem>>
    %dma_wait3A_150 = tpu.memref_squeeze %dma_wait3A_149 : memref<1x128x64xf32, #tpu.memory_space<vmem>> -> memref<128x64xf32, #tpu.memory_space<vmem>>
    tpu.wait_dma2 semaphore(%arg19 : memref<!tpu.dma_semaphore, #tpu.memory_space<semaphore_mem>>) src(%dma_wait3A_150 : memref<128x64xf32, #tpu.memory_space<vmem>>) dst(%dma_wait3A_146 : memref<128x64xf32, #tpu.memory_space<hbm>>)
    %add3A_151 = arith.constant 5504 : i32
    %add3A_152 = arith.addi %mul3A_2, %add3A_151 : i32
    %dma_wait3A_153 = arith.constant 3 : i32
    %dma_wait3A_154 = arith.constant 0 : i32
    %dma_wait3A_155 = arith.constant 0 : i32
    %dma_wait3A_156 = tpu.memref_slice %arg6[%dma_wait3A_153, %dma_wait3A_154, %dma_wait3A_155] : memref<10x128x64xf32, #tpu.memory_space<vmem>> -> memref<1x128x64xf32, #tpu.memory_space<vmem>>
    %dma_wait3A_157 = tpu.memref_squeeze %dma_wait3A_156 : memref<1x128x64xf32, #tpu.memory_space<vmem>> -> memref<128x64xf32, #tpu.memory_space<vmem>>
    %dma_wait3A_158 = arith.constant 0 : i32
    %dma_wait3A_159 = tpu.memref_slice %arg4[%add3A_152, %dma_wait3A_158] : memref<204800x64xf32, #tpu.memory_space<hbm>> -> memref<128x64xf32, #tpu.memory_space<hbm>>
    %dma_wait3A_160 = arith.constant 0 : i32
    %dma_wait3A_161 = tpu.memref_slice %arg4[%add3A_152, %dma_wait3A_160] : memref<204800x64xf32, #tpu.memory_space<hbm>> -> memref<128x64xf32, #tpu.memory_space<hbm>>
    %dma_wait3A_162 = arith.constant 0 : i32
    %dma_wait3A_163 = arith.constant 0 : i32
    %dma_wait3A_164 = tpu.memref_slice %arg6[%dma_wait3A_153, %dma_wait3A_162, %dma_wait3A_163] : memref<10x128x64xf32, #tpu.memory_space<vmem>> -> memref<1x128x64xf32, #tpu.memory_space<vmem>>
    %dma_wait3A_165 = tpu.memref_squeeze %dma_wait3A_164 : memref<1x128x64xf32, #tpu.memory_space<vmem>> -> memref<128x64xf32, #tpu.memory_space<vmem>>
    tpu.wait_dma2 semaphore(%arg20 : memref<!tpu.dma_semaphore, #tpu.memory_space<semaphore_mem>>) src(%dma_wait3A_165 : memref<128x64xf32, #tpu.memory_space<vmem>>) dst(%dma_wait3A_161 : memref<128x64xf32, #tpu.memory_space<hbm>>)
    %add3A_166 = arith.constant 5632 : i32
    %add3A_167 = arith.addi %mul3A_2, %add3A_166 : i32
    %dma_wait3A_168 = arith.constant 4 : i32
    %dma_wait3A_169 = arith.constant 0 : i32
    %dma_wait3A_170 = arith.constant 0 : i32
    %dma_wait3A_171 = tpu.memref_slice %arg6[%dma_wait3A_168, %dma_wait3A_169, %dma_wait3A_170] : memref<10x128x64xf32, #tpu.memory_space<vmem>> -> memref<1x128x64xf32, #tpu.memory_space<vmem>>
    %dma_wait3A_172 = tpu.memref_squeeze %dma_wait3A_171 : memref<1x128x64xf32, #tpu.memory_space<vmem>> -> memref<128x64xf32, #tpu.memory_space<vmem>>
    %dma_wait3A_173 = arith.constant 0 : i32
    %dma_wait3A_174 = tpu.memref_slice %arg4[%add3A_167, %dma_wait3A_173] : memref<204800x64xf32, #tpu.memory_space<hbm>> -> memref<128x64xf32, #tpu.memory_space<hbm>>
    %dma_wait3A_175 = arith.constant 0 : i32
    %dma_wait3A_176 = tpu.memref_slice %arg4[%add3A_167, %dma_wait3A_175] : memref<204800x64xf32, #tpu.memory_space<hbm>> -> memref<128x64xf32, #tpu.memory_space<hbm>>
    %dma_wait3A_177 = arith.constant 0 : i32
    %dma_wait3A_178 = arith.constant 0 : i32
    %dma_wait3A_179 = tpu.memref_slice %arg6[%dma_wait3A_168, %dma_wait3A_177, %dma_wait3A_178] : memref<10x128x64xf32, #tpu.memory_space<vmem>> -> memref<1x128x64xf32, #tpu.memory_space<vmem>>
    %dma_wait3A_180 = tpu.memref_squeeze %dma_wait3A_179 : memref<1x128x64xf32, #tpu.memory_space<vmem>> -> memref<128x64xf32, #tpu.memory_space<vmem>>
    tpu.wait_dma2 semaphore(%arg21 : memref<!tpu.dma_semaphore, #tpu.memory_space<semaphore_mem>>) src(%dma_wait3A_180 : memref<128x64xf32, #tpu.memory_space<vmem>>) dst(%dma_wait3A_176 : memref<128x64xf32, #tpu.memory_space<hbm>>)
    %add3A_181 = arith.constant 5760 : i32
    %add3A_182 = arith.addi %mul3A_2, %add3A_181 : i32
    %dma_wait3A_183 = arith.constant 5 : i32
    %dma_wait3A_184 = arith.constant 0 : i32
    %dma_wait3A_185 = arith.constant 0 : i32
    %dma_wait3A_186 = tpu.memref_slice %arg6[%dma_wait3A_183, %dma_wait3A_184, %dma_wait3A_185] : memref<10x128x64xf32, #tpu.memory_space<vmem>> -> memref<1x128x64xf32, #tpu.memory_space<vmem>>
    %dma_wait3A_187 = tpu.memref_squeeze %dma_wait3A_186 : memref<1x128x64xf32, #tpu.memory_space<vmem>> -> memref<128x64xf32, #tpu.memory_space<vmem>>
    %dma_wait3A_188 = arith.constant 0 : i32
    %dma_wait3A_189 = tpu.memref_slice %arg4[%add3A_182, %dma_wait3A_188] : memref<204800x64xf32, #tpu.memory_space<hbm>> -> memref<128x64xf32, #tpu.memory_space<hbm>>
    %dma_wait3A_190 = arith.constant 0 : i32
    %dma_wait3A_191 = tpu.memref_slice %arg4[%add3A_182, %dma_wait3A_190] : memref<204800x64xf32, #tpu.memory_space<hbm>> -> memref<128x64xf32, #tpu.memory_space<hbm>>
    %dma_wait3A_192 = arith.constant 0 : i32
    %dma_wait3A_193 = arith.constant 0 : i32
    %dma_wait3A_194 = tpu.memref_slice %arg6[%dma_wait3A_183, %dma_wait3A_192, %dma_wait3A_193] : memref<10x128x64xf32, #tpu.memory_space<vmem>> -> memref<1x128x64xf32, #tpu.memory_space<vmem>>
    %dma_wait3A_195 = tpu.memref_squeeze %dma_wait3A_194 : memref<1x128x64xf32, #tpu.memory_space<vmem>> -> memref<128x64xf32, #tpu.memory_space<vmem>>
    tpu.wait_dma2 semaphore(%arg22 : memref<!tpu.dma_semaphore, #tpu.memory_space<semaphore_mem>>) src(%dma_wait3A_195 : memref<128x64xf32, #tpu.memory_space<vmem>>) dst(%dma_wait3A_191 : memref<128x64xf32, #tpu.memory_space<hbm>>)
    %add3A_196 = arith.constant 5888 : i32
    %add3A_197 = arith.addi %mul3A_2, %add3A_196 : i32
    %dma_wait3A_198 = arith.constant 6 : i32
    %dma_wait3A_199 = arith.constant 0 : i32
    %dma_wait3A_200 = arith.constant 0 : i32
    %dma_wait3A_201 = tpu.memref_slice %arg6[%dma_wait3A_198, %dma_wait3A_199, %dma_wait3A_200] : memref<10x128x64xf32, #tpu.memory_space<vmem>> -> memref<1x128x64xf32, #tpu.memory_space<vmem>>
    %dma_wait3A_202 = tpu.memref_squeeze %dma_wait3A_201 : memref<1x128x64xf32, #tpu.memory_space<vmem>> -> memref<128x64xf32, #tpu.memory_space<vmem>>
    %dma_wait3A_203 = arith.constant 0 : i32
    %dma_wait3A_204 = tpu.memref_slice %arg4[%add3A_197, %dma_wait3A_203] : memref<204800x64xf32, #tpu.memory_space<hbm>> -> memref<128x64xf32, #tpu.memory_space<hbm>>
    %dma_wait3A_205 = arith.constant 0 : i32
    %dma_wait3A_206 = tpu.memref_slice %arg4[%add3A_197, %dma_wait3A_205] : memref<204800x64xf32, #tpu.memory_space<hbm>> -> memref<128x64xf32, #tpu.memory_space<hbm>>
    %dma_wait3A_207 = arith.constant 0 : i32
    %dma_wait3A_208 = arith.constant 0 : i32
    %dma_wait3A_209 = tpu.memref_slice %arg6[%dma_wait3A_198, %dma_wait3A_207, %dma_wait3A_208] : memref<10x128x64xf32, #tpu.memory_space<vmem>> -> memref<1x128x64xf32, #tpu.memory_space<vmem>>
    %dma_wait3A_210 = tpu.memref_squeeze %dma_wait3A_209 : memref<1x128x64xf32, #tpu.memory_space<vmem>> -> memref<128x64xf32, #tpu.memory_space<vmem>>
    tpu.wait_dma2 semaphore(%arg23 : memref<!tpu.dma_semaphore, #tpu.memory_space<semaphore_mem>>) src(%dma_wait3A_210 : memref<128x64xf32, #tpu.memory_space<vmem>>) dst(%dma_wait3A_206 : memref<128x64xf32, #tpu.memory_space<hbm>>)
    %add3A_211 = arith.constant 6016 : i32
    %add3A_212 = arith.addi %mul3A_2, %add3A_211 : i32
    %dma_wait3A_213 = arith.constant 7 : i32
    %dma_wait3A_214 = arith.constant 0 : i32
    %dma_wait3A_215 = arith.constant 0 : i32
    %dma_wait3A_216 = tpu.memref_slice %arg6[%dma_wait3A_213, %dma_wait3A_214, %dma_wait3A_215] : memref<10x128x64xf32, #tpu.memory_space<vmem>> -> memref<1x128x64xf32, #tpu.memory_space<vmem>>
    %dma_wait3A_217 = tpu.memref_squeeze %dma_wait3A_216 : memref<1x128x64xf32, #tpu.memory_space<vmem>> -> memref<128x64xf32, #tpu.memory_space<vmem>>
    %dma_wait3A_218 = arith.constant 0 : i32
    %dma_wait3A_219 = tpu.memref_slice %arg4[%add3A_212, %dma_wait3A_218] : memref<204800x64xf32, #tpu.memory_space<hbm>> -> memref<128x64xf32, #tpu.memory_space<hbm>>
    %dma_wait3A_220 = arith.constant 0 : i32
    %dma_wait3A_221 = tpu.memref_slice %arg4[%add3A_212, %dma_wait3A_220] : memref<204800x64xf32, #tpu.memory_space<hbm>> -> memref<128x64xf32, #tpu.memory_space<hbm>>
    %dma_wait3A_222 = arith.constant 0 : i32
    %dma_wait3A_223 = arith.constant 0 : i32
    %dma_wait3A_224 = tpu.memref_slice %arg6[%dma_wait3A_213, %dma_wait3A_222, %dma_wait3A_223] : memref<10x128x64xf32, #tpu.memory_space<vmem>> -> memref<1x128x64xf32, #tpu.memory_space<vmem>>
    %dma_wait3A_225 = tpu.memref_squeeze %dma_wait3A_224 : memref<1x128x64xf32, #tpu.memory_space<vmem>> -> memref<128x64xf32, #tpu.memory_space<vmem>>
    tpu.wait_dma2 semaphore(%arg24 : memref<!tpu.dma_semaphore, #tpu.memory_space<semaphore_mem>>) src(%dma_wait3A_225 : memref<128x64xf32, #tpu.memory_space<vmem>>) dst(%dma_wait3A_221 : memref<128x64xf32, #tpu.memory_space<hbm>>)
    %add3A_226 = arith.constant 6144 : i32
    %add3A_227 = arith.addi %mul3A_2, %add3A_226 : i32
    %dma_wait3A_228 = arith.constant 8 : i32
    %dma_wait3A_229 = arith.constant 0 : i32
    %dma_wait3A_230 = arith.constant 0 : i32
    %dma_wait3A_231 = tpu.memref_slice %arg6[%dma_wait3A_228, %dma_wait3A_229, %dma_wait3A_230] : memref<10x128x64xf32, #tpu.memory_space<vmem>> -> memref<1x128x64xf32, #tpu.memory_space<vmem>>
    %dma_wait3A_232 = tpu.memref_squeeze %dma_wait3A_231 : memref<1x128x64xf32, #tpu.memory_space<vmem>> -> memref<128x64xf32, #tpu.memory_space<vmem>>
    %dma_wait3A_233 = arith.constant 0 : i32
    %dma_wait3A_234 = tpu.memref_slice %arg4[%add3A_227, %dma_wait3A_233] : memref<204800x64xf32, #tpu.memory_space<hbm>> -> memref<128x64xf32, #tpu.memory_space<hbm>>
    %dma_wait3A_235 = arith.constant 0 : i32
    %dma_wait3A_236 = tpu.memref_slice %arg4[%add3A_227, %dma_wait3A_235] : memref<204800x64xf32, #tpu.memory_space<hbm>> -> memref<128x64xf32, #tpu.memory_space<hbm>>
    %dma_wait3A_237 = arith.constant 0 : i32
    %dma_wait3A_238 = arith.constant 0 : i32
    %dma_wait3A_239 = tpu.memref_slice %arg6[%dma_wait3A_228, %dma_wait3A_237, %dma_wait3A_238] : memref<10x128x64xf32, #tpu.memory_space<vmem>> -> memref<1x128x64xf32, #tpu.memory_space<vmem>>
    %dma_wait3A_240 = tpu.memref_squeeze %dma_wait3A_239 : memref<1x128x64xf32, #tpu.memory_space<vmem>> -> memref<128x64xf32, #tpu.memory_space<vmem>>
    tpu.wait_dma2 semaphore(%arg25 : memref<!tpu.dma_semaphore, #tpu.memory_space<semaphore_mem>>) src(%dma_wait3A_240 : memref<128x64xf32, #tpu.memory_space<vmem>>) dst(%dma_wait3A_236 : memref<128x64xf32, #tpu.memory_space<hbm>>)
    %add3A_241 = arith.constant 6272 : i32
    %add3A_242 = arith.addi %mul3A_2, %add3A_241 : i32
    %dma_wait3A_243 = arith.constant 9 : i32
    %dma_wait3A_244 = arith.constant 0 : i32
    %dma_wait3A_245 = arith.constant 0 : i32
    %dma_wait3A_246 = tpu.memref_slice %arg6[%dma_wait3A_243, %dma_wait3A_244, %dma_wait3A_245] : memref<10x128x64xf32, #tpu.memory_space<vmem>> -> memref<1x128x64xf32, #tpu.memory_space<vmem>>
    %dma_wait3A_247 = tpu.memref_squeeze %dma_wait3A_246 : memref<1x128x64xf32, #tpu.memory_space<vmem>> -> memref<128x64xf32, #tpu.memory_space<vmem>>
    %dma_wait3A_248 = arith.constant 0 : i32
    %dma_wait3A_249 = tpu.memref_slice %arg4[%add3A_242, %dma_wait3A_248] : memref<204800x64xf32, #tpu.memory_space<hbm>> -> memref<128x64xf32, #tpu.memory_space<hbm>>
    %dma_wait3A_250 = arith.constant 0 : i32
    %dma_wait3A_251 = tpu.memref_slice %arg4[%add3A_242, %dma_wait3A_250] : memref<204800x64xf32, #tpu.memory_space<hbm>> -> memref<128x64xf32, #tpu.memory_space<hbm>>
    %dma_wait3A_252 = arith.constant 0 : i32
    %dma_wait3A_253 = arith.constant 0 : i32
    %dma_wait3A_254 = tpu.memref_slice %arg6[%dma_wait3A_243, %dma_wait3A_252, %dma_wait3A_253] : memref<10x128x64xf32, #tpu.memory_space<vmem>> -> memref<1x128x64xf32, #tpu.memory_space<vmem>>
    %dma_wait3A_255 = tpu.memref_squeeze %dma_wait3A_254 : memref<1x128x64xf32, #tpu.memory_space<vmem>> -> memref<128x64xf32, #tpu.memory_space<vmem>>
    tpu.wait_dma2 semaphore(%arg26 : memref<!tpu.dma_semaphore, #tpu.memory_space<semaphore_mem>>) src(%dma_wait3A_255 : memref<128x64xf32, #tpu.memory_space<vmem>>) dst(%dma_wait3A_251 : memref<128x64xf32, #tpu.memory_space<hbm>>)
    return
  }
}

</mosaic_0001>

<sc_bundles>
// kernel: kernel.3.cloned.1.call-start
scs
__scs_entry_jumppad:
0x0: {  	(pc) =	sbr.rel $0x88, $3  }
0x1: {  	(tag) =	ssettag $0x0;
	lr =	simm.s32 $0x1  }
0x2: {  	[smem:$0x3F9F] =	sst lr;
	_ =	strace $0xD0000000  }
0x3: {  	_ = 	snop  }
0x4: {  	_ = 	snop  }
0x5: {  	_ = 	snop  }
0x6: {  	_ = 	snop  }
0x7: {  	_ = 	snop  }
__scs_overlays_trampoline_lowered:
0x8: {  	[smem:$0x3FAE] =	sst s0  }
0x9: {  	[smem:$0x3FAF] =	sst s1  }
0xa: {  	[smem:$0x3FB0] =	sst s2  }
0xb: {  	[smem:$0x3FB1] =	sst s3  }
0xc: {  	[smem:$0x3FB2] =	sst s4  }
0xd: {  	[smem:$0x3FB3] =	sst s5  }
0xe: {  	[smem:$0x3FB4] =	sst s6  }
0xf: {  	[smem:$0x3FB5] =	sst s7  }
0x10: {  	[smem:$0x3FB6] =	sst s8  }
0x11: {  	[smem:$0x3FB7] =	sst s9;
	s0 =	simm.s32 @!p0 $0x0  }
0x12: {  	s1 =	sld [smem:$0x3F9D];
	s0 =	simm.s32 @p0 $0x1  }
0x13: {  	[smem:$0x3FB8] =	sst s0;
	s0 =	simm.s32 @!p1 $0x0  }
0x14: {  	s2 =	sld [smem:$0x3F9C];
	s0 =	simm.s32 @p1 $0x1  }
0x15: {  	[smem:$0x3FB9] =	sst s0;
	s0 =	simm.s32 @!p2 $0x0  }
0x16: {  	s3 =	sld [smem:$0x3FDB];
	s0 =	simm.s32 @p2 $0x1  }
0x17: {  	s4 =	simm.s32 $0x1BF5;
	[smem:$0x3FBB] =	sst s0  }
0x18: {  	s0 =	sld [smem:$0x3F9E];
	_ =	swait.ge [sflag:s4], $0x0  }
0x19: {  	s7 =	sld [smem:$0x3F9F]  }
0x1a: {  	s8 =	sadd.s32 $0xFFFFE003, lr  }
0x1b: {  	s9 =	sadd.s32 $0xFFFFFEF7, lr;
	s5 =	simm.s32 $0xFFFFFFFF;
	p2 =	slt.u32 s8, $0xFFFFF086  }
0x1c: {  	p1 =	slt.u32 s9, $0xF7A;
	s5 =	simm.s32 @!p2 $0x0  }
0x1d: {  	s5 =	simm.s32 @p1 $0x1;
	p0 =	seq.s32 s7, s2  }
0x1e: {  	s7 =	smul.u32 @!p0 $0xF7A, s2;
	p2 =	seq.s32 @!p0 s5, $0x0  }
0x1f: {  	s9 =	smul.u32 $0xF7A, s1;
	s8 =	simm.s32 @!p0 $0x1BF5;
	p2 =	por !p2, p0  }
0x20: {  	[sflag:s8] =	ssyncset.s32 @!p0 $0xFFFFF086;
	s6 =	sadd.s32 @!p0 s3, s7;
	s7 =	simm.s32 @!p0 $0x108  }
0x21: {  	s3 =	sadd.s32 s3, s9;
	s6 =	sadd.s32 @!p0 $0x88, s6;
	s7 =	simm.s32 @p2 $0x1082  }
0x22: {  	[simem:s7], [sflag:s8] =	dma.local @!p0 [hbm:s6], $0xF7A  }
0x23: {  	s9 =	sor.u32 $0xD0000000, s2;
	s6 =	simm.s32 $0x108;
	_ =	swait.ge @!p0 [sflag:s8], $0x0  }
0x24: {  	s3 =	sadd.s32 $0x88, s3;
	s6 =	simm.s32 @!p1 $0x1082;
	[sflag:s4] =	ssyncset.s32 $0xFFFFF086  }
0x25: {  	[simem:s6], [sflag:s4] =	dma.local [hbm:s3], $0xF7A  }
0x26: {  	[smem:$0x3F9F] =	sst s1;
	(tag) =	ssettag s2;
	_ =	strace s9  }
0x27: {  	s1 =	sld [smem:$0x3FAF]  }
0x28: {  	s2 =	sld [smem:$0x3FB0]  }
0x29: {  	s4 =	sld [smem:$0x3FB2]  }
0x2a: {  	p0 =	seq.s32 s5, $0x0;
	s5 =	sld [smem:$0x3FB3]  }
0x2b: {  	s6 =	sld [smem:$0x3FB4]  }
0x2c: {  	s7 =	sld [smem:$0x3FB5]  }
0x2d: {  	s3 =	simm.s32 $0x108;
	s8 =	sld [smem:$0x3FB6]  }
0x2e: {  	s3 =	simm.s32 @!p0 $0x1082;
	s9 =	sld [smem:$0x3FB7]  }
0x2f: {  	lr =	sadd.s32 s0, s3;
	s0 =	sld [smem:$0x3FAE]  }
0x30: {  	s3 =	sld [smem:$0x3FB1]  }
0x31: {  	[smem:$0x3FBA] =	sst s10  }
0x32: {  	s10 =	sld [smem:$0x3FB8];
	_ =	sdelay $0x3  }
0x33: {  	p0 =	seq.s32 s10, $0x1;
	s10 =	sld [smem:$0x3FBA];
	_ =	sdelay $0x3  }
0x34: {  	[smem:$0x3FBA] =	sst s10  }
0x35: {  	s10 =	sld [smem:$0x3FB9];
	_ =	sdelay $0x3  }
0x36: {  	p1 =	seq.s32 s10, $0x1;
	s10 =	sld [smem:$0x3FBA];
	_ =	sdelay $0x3  }
0x37: {  	[smem:$0x3FBA] =	sst s10  }
0x38: {  	s10 =	sld [smem:$0x3FBB]  }
0x39: {  	_ = 	snop;
	(pc) =	sbr.ind lr, $3  }
0x3a: {  	_ = 	snop  }
0x3b: {  	_ = 	snop  }
0x3c: {  	p2 =	seq.s32 s10, $0x1;
	s10 =	sld [smem:$0x3FBA]  }
0x3d: {  	_ =	shalt  }
0x3e: {  	_ =	shalt  }
0x3f: {  	_ =	shalt  }
0x40: {  	_ =	shalt  }
0x41: {  	_ =	shalt  }
0x42: {  	_ =	shalt  }
0x43: {  	_ =	shalt  }
0x44: {  	_ =	shalt  }
0x45: {  	_ =	shalt  }
0x46: {  	_ =	shalt  }
0x47: {  	_ =	shalt  }
0x48: {  	_ =	shalt  }
0x49: {  	_ =	shalt  }
0x4a: {  	_ =	shalt  }
0x4b: {  	_ =	shalt  }
0x4c: {  	_ =	shalt  }
0x4d: {  	_ =	shalt  }
0x4e: {  	_ =	shalt  }
0x4f: {  	_ =	shalt  }
0x50: {  	_ =	shalt  }
0x51: {  	_ =	shalt  }
0x52: {  	_ =	shalt  }
0x53: {  	_ =	shalt  }
0x54: {  	_ =	shalt  }
0x55: {  	_ =	shalt  }
0x56: {  	_ =	shalt  }
0x57: {  	_ =	shalt  }
0x58: {  	_ =	shalt  }
0x59: {  	_ =	shalt  }
0x5a: {  	_ =	shalt  }
0x5b: {  	_ =	shalt  }
0x5c: {  	_ =	shalt  }
0x5d: {  	_ =	shalt  }
0x5e: {  	_ =	shalt  }
0x5f: {  	_ =	shalt  }
0x60: {  	_ =	shalt  }
0x61: {  	_ =	shalt  }
0x62: {  	_ =	shalt  }
0x63: {  	_ =	shalt  }
0x64: {  	_ =	shalt  }
0x65: {  	_ =	shalt  }
0x66: {  	_ =	shalt  }
0x67: {  	_ =	shalt  }
0x68: {  	_ =	shalt  }
0x69: {  	_ =	shalt  }
0x6a: {  	_ =	shalt  }
0x6b: {  	_ =	shalt  }
0x6c: {  	_ =	shalt  }
0x6d: {  	_ =	shalt  }
0x6e: {  	_ =	shalt  }
0x6f: {  	_ =	shalt  }
0x70: {  	_ =	shalt  }
0x71: {  	_ =	shalt  }
0x72: {  	_ =	shalt  }
0x73: {  	_ =	shalt  }
0x74: {  	_ =	shalt  }
0x75: {  	_ =	shalt  }
0x76: {  	_ =	shalt  }
0x77: {  	_ =	shalt  }
0x78: {  	_ =	shalt  }
0x79: {  	_ =	shalt  }
0x7a: {  	_ =	shalt  }
0x7b: {  	_ =	shalt  }
0x7c: {  	_ =	shalt  }
0x7d: {  	_ =	shalt  }
0x7e: {  	_ =	shalt  }
0x7f: {  	_ =	shalt  }
0x80: {  	_ =	shalt  }
0x81: {  	_ =	shalt  }
0x82: {  	_ =	shalt  }
0x83: {  	_ =	shalt  }
0x84: {  	_ =	shalt  }
0x85: {  	_ =	shalt  }
0x86: {  	_ =	shalt  }
0x87: {  	_ =	shalt  }
.Lfunc_end0:
.L_simem_size_0:
called_computation.1_lowered:
.L_overlay_start_0:
0x88: {  	s2 =	sld [smem:$0x3FD9]  }
0x89: {  	s3 =	sld [smem:$0x3FFE];
	_ =	sdelay $0x1  }
0x8a: {  	s1 =	srdreg.scid  }
0x8b: {  	s0 =	sand.u32 $0x1, s1  }
0x8c: {  	s17 =	sshll.u32 s0, $0xA;
	s2 =	sadd.s32 s3, s2  }
0x8d: {  	s2 =	sadd.s32 s2, s17  }
0x8e: {  	[smem:$0x3FC6] =	sst s2  }
0x8f: {  	_ = 	snop  }
0x90: {  	s2 =	sld [smem:$0x3FD0];
	(tm) =	ssettm $0x1  }
0x91: {  	s18 =	sld [smem:$0x3FFB];
	_ =	sdelay $0x3  }
0x92: {  	_ =	strace s18  }
0x93: {  	s3 =	sld [smem:$0x3FFC];
	_ =	sdelay $0x3  }
0x94: {  	_ =	strace s3  }
0x95: {  	s3 =	sld [smem:$0x3FFD];
	_ =	sdelay $0x3  }
0x96: {  	_ =	strace s3  }
0x97: {  	_ =	strace $0x8FFFFFFF  }
0x98: {  	s19 =	sld [smem:$0x3FDB];
	_ =	sdelay $0x1  }
0x99: {  	s4 =	simm.s32 $_scs_section_size  }
0x9a: {  	s5 =	simm.s32 $_size__tile_overlayer_lowered;
	s6 =	simm.s32 $_tile_overlayer_lowered  }
0x9b: {  	s22 =	simm.s32 $0x1BFF;
	s21 =	sshll.u32 s6, $0x1;
	s3 =	sadd.s32 s4, s19  }
0x9c: {  	s7 =	simm.s32 $0x0;
	s20 =	sshll.u32 s5, $0x1;
	s5 =	sadd.s32 s21, s3  }
0x9d: {  	[timem:s7], [sflag:s22] =	dma.local [hbm:s5], s20  }
0x9e: {  	_ =	swait.ge [sflag:s22], s20  }
0x9f: {  	s4 =	ssub.s32 $0x0, s20;
	[sflag:s22] =	ssyncset.done $0x0  }
0xa0: {  	[sflag:s22] =	ssyncadd.s32 s4;
	_ =	sdelay $0x1  }
0xa1: {  	s23 =	simm.s32 $0x1B8B  }
0xa2: {  	_ =	swait.ge [sflag:s23], $0x1  }
0xa3: {  	[sflag:s23] =	ssyncset.done $0x0  }
0xa4: {  	s25 =	simm.s32 $0x1B8E;
	s24 =	sld [smem:$0x3FFE];
	[sflag:s23] =	ssyncadd.s32 $0xFFFFFFFF  }
0xa5: {  	s26 =	simm.s32 $execute0_lowered;
	[smem:$0x3FD2] =	sst s25  }
0xa6: {  	s5 =	sshll.u32 s26, $0x1;
	_ =	strace $0x80000046;
	[dreg:$0x1] =	wrdreg $0xFFFFFFFF  }
0xa7: {  	s28 =	simm.s32 $_size_execute0_lowered;
	s3 =	sadd.s32 s3, s5;
	[dreg:$0x0] =	wrdreg $0x0  }
0xa8: {  	s5 =	sshll.u32 s28, $0x1;
	[dreg:$0x2] =	wrdreg s3  }
0xa9: {  	[dreg:$0x3] =	wrdreg s5  }
0xaa: {  	[dreg:$0x4] =	wrdreg $0xC0  }
0xab: {  	_ =	task [dreg:s7], $0x5FFFF  }
0xac: {  	[dreg:$0x1] =	wrdreg $0xFFFFFFFF  }
0xad: {  	[dreg:$0x0] =	wrdreg $0x60  }
0xae: {  	[dreg:$0x2] =	wrdreg s24  }
0xaf: {  	[dreg:$0x3] =	wrdreg s2  }
0xb0: {  	[dreg:$0x4] =	wrdreg $0x9  }
0xb1: {  	_ =	task.clear_ibuf [dreg:s7], $0x5FFFF;
	_ =	strace $0x90000046  }
0xb2: {  	s29 =	simm.s32 $0x9;
	_ =	strace $0x80000048  }
0xb3: {  	_ =	swait.ge [sflag:s29], $0x1  }
0xb4: {  	[sflag:s29] =	ssyncadd.s32 $0xFFFFFFFF  }
0xb5: {  	_ =	strace $0x90000048  }
0xb6: {  	_ =	sfence  }
0xb7: {  	s30 =	sld [smem:$0x0];
	_ =	sdelay $0x2  }
0xb8: {  	s31 =	sshll.u32 s1, $0xD;
	s1 =	sshrl.u32 s1, $0x2  }
0xb9: {  	s3 =	sand.u32 $0x4000, s31;
	s1 =	sadd.s32 s1, s30  }
0xba: {  	s0 =	sor.u32 s3, s0;
	s1 =	sshll.u32 s1, $0x11  }
0xbb: {  	s0 =	sor.u32 s1, s0  }
0xbc: {  	s0 =	sadd.s32 $0x8F2B, s0  }
0xbd: {  	[sflag:s0] =	ssyncadd.remote.s32 $0x1  }
0xbe: {  	_ =	sfence.sel $0xFFFF  }
0xbf: {  	[dreg:$0x0] =	wrdreg $0xFFFFFFFF;
	(pc) =	sbr.abs _section_cstart, $3  }
0xc0: {  	[dreg:$0x1] =	wrdreg $0xFFFFFFFF  }
0xc1: {  	_ =	task.clear_ibuf [dreg:s7], $0x2FFFF;
	_ =	strace $0x9FFFFFFF  }
0xc2: {  	(tm) =	ssettm $0x7FFFFFFF  }
0xc3: {  	_ =	shalt  }
tec
execute0_lowered:
.L_overlay_start_1:
0x0: {  	(tag) =	ssettag $0x1  }
0x1: {  	s0 =	srdreg.scid  }
0x2: {  	s11 =	stileid.u32;
	s2 =	rddreg [dreg:$0x0]  }
0x3: {  	s3 =	simm.s32 $0x0;
	s18 =	simm.s32 $0x80;
	s25 =	simm.s32 $0x13900  }
0x4: {  	s28 =	simm.s32 $0x1;
	s30 =	simm.s32 $0x2;
	s23 =	simm.s32 $0x5  }
0x5: {  	s17 =	simm.s32 $0x8;
	s19 =	simm.s32 $0x9;
	s20 =	simm.s32 $0xA  }
0x6: {  	s22 =	simm.s32 $0x14;
	s21 =	simm.s32 $0x0;
	s5 =	smul.u32 $0x3200, s11  }
0x7: {  	s0 =	sand.u32 $0x1, s0;
	s1 =	sshll.u32 s11, $0x1;
	s31 =	smul.u32 $0x19000, s11  }
0x8: {  	[smem:$0x7FF] =	sst s3;
	s4 =	sadd.s32 $0xF42E00, s2;
	s6 =	smul.u32 $0x1900, s0  }
0x9: {  	s1 =	sor.u32 s0, s1;
	s7 =	ssub.s32 $0x2, s0;
	s0 =	smul.u32 $0xC800, s0  }
0xa: {  	_ =	strace $0x80000047;
	s1 =	smul.u32 $0x1900, s1;
	s26 =	sshrl.u32 s7, $0x1  }
0xb: {  	s5 =	sadd.s32 s6, s5;
	s16 =	sadd.s32 s0, s31;
	s6 =	simm.s32 $0x7  }
0xc: {  	s1 =	sshrl.u32 s1, $0x3;
	s29 =	sshll.u32 s5, $0x3;
	s5 =	simm.s32 $0x6  }
0xd: {  	s1 =	sadd.s32 s1, s2;
	s2 =	ssub.s32 s7, s26;
	s7 =	sadd.s32 $0x2400, s29  }
.Ltmp0:
0xe: {  	s8 =	sadd.s32 $0x2000, s29;
	s9 =	sadd.s32 $0x1C00, s29;
	(pc) =	sbr.rel .LBB2_1-.Ltmp0, $4  }
0xf: {  	s10 =	sadd.s32 $0x1800, s29;
	s11 =	sadd.s32 $0x1400, s29;
	s12 =	sadd.s32 $0x1000, s29  }
0x10: {  	s13 =	sadd.s32 $0xC00, s29;
	s14 =	sadd.s32 $0x800, s29;
	s1 =	sadd.s32 $0xA00, s1  }
0x11: {  	s15 =	sor.u32 $0x400, s29;
	s2 =	smax.u32 s2, $0x1;
	[dreg:$0x3] =	wrdreg s1  }
0x12: {  	[dreg:$0x4] =	wrdreg s2;
	s1 =	simm.s32 $0x3;
	s2 =	simm.s32 $0x4  }
.LBB2_4:
0x13: {  	s0 =	simm.s32 $0xB  }
0x14: {  	_ =	swait.ge [sflag:s0], $0x2000  }
0x15: {  	[sflag:s0] =	ssyncset.done $0x0  }
0x16: {  	s24 =	simm.s32 $0xC;
	[sflag:s0] =	ssyncadd.s32 $0xFFFFE000  }
0x17: {  	_ =	swait.ge [sflag:s24], $0x2000  }
0x18: {  	[sflag:s24] =	ssyncset.done $0x0  }
0x19: {  	s26 =	simm.s32 $0xD;
	[sflag:s24] =	ssyncadd.s32 $0xFFFFE000  }
0x1a: {  	_ =	swait.ge [sflag:s26], $0x2000  }
0x1b: {  	[sflag:s26] =	ssyncset.done $0x0  }
0x1c: {  	s29 =	simm.s32 $0xE;
	[sflag:s26] =	ssyncadd.s32 $0xFFFFE000  }
0x1d: {  	_ =	swait.ge [sflag:s29], $0x2000  }
0x1e: {  	[sflag:s29] =	ssyncset.done $0x0  }
0x1f: {  	s31 =	simm.s32 $0xF;
	[sflag:s29] =	ssyncadd.s32 $0xFFFFE000  }
0x20: {  	_ =	swait.ge [sflag:s31], $0x2000  }
0x21: {  	[sflag:s31] =	ssyncset.done $0x0  }
0x22: {  	s21 =	simm.s32 $0x10;
	[sflag:s31] =	ssyncadd.s32 $0xFFFFE000  }
0x23: {  	_ =	swait.ge [sflag:s21], $0x2000  }
0x24: {  	[sflag:s21] =	ssyncset.done $0x0  }
0x25: {  	s24 =	simm.s32 $0x11;
	[sflag:s21] =	ssyncadd.s32 $0xFFFFE000  }
0x26: {  	_ =	swait.ge [sflag:s24], $0x2000  }
0x27: {  	[sflag:s24] =	ssyncset.done $0x0  }
0x28: {  	s26 =	simm.s32 $0x12;
	[sflag:s24] =	ssyncadd.s32 $0xFFFFE000  }
0x29: {  	_ =	swait.ge [sflag:s26], $0x2000  }
0x2a: {  	[sflag:s26] =	ssyncset.done $0x0  }
0x2b: {  	s29 =	simm.s32 $0x13;
	[sflag:s26] =	ssyncadd.s32 $0xFFFFE000  }
0x2c: {  	_ =	swait.ge [sflag:s29], $0x2000  }
0x2d: {  	[sflag:s29] =	ssyncset.done $0x0  }
0x2e: {  	[sflag:s29] =	ssyncadd.s32 $0xFFFFE000  }
0x2f: {  	_ =	swait.ge [sflag:s22], $0x2000  }
0x30: {  	s21 =	rddreg [dreg:$0x5]  }
0x31: {  	s31 =	rddreg [dreg:$0x4];
	s21 =	sadd.s32 $0x1, s21  }
0x32: {  	p0 =	sne.s32 s21, s31  }
.Ltmp1:
0x33: {  	_ = 	snop;
	(pc) =	sbr.rel @!p0 .LBB2_5-.Ltmp1, $3  }
0x34: {  	_ =	sdelay $0x1  }
0x35: {  	[sflag:s22] =	ssyncset.done $0x0  }
0x36: {  	[sflag:s22] =	ssyncadd.s32 $0xFFFFE000  }
.LBB2_1:
0x37: {  	[dreg:$0x5] =	wrdreg s21  }
0x38: {  	s0 =	rddreg [dreg:$0x3];
	s21 =	simm.s32 $0x15  }
0x39: {  	[tilespmem:s3], [sflag:$0x15] =	stream.linear.gather [hbm4b:s0+s3], $0x1900, $0x38;
	[tilespmem:$0x15900] =	vst v63  }
0x3a: {  	_ =	swait.ge [sflag:s21], $0x1900  }
0x3b: {  	[sflag:s21] =	ssyncset.done $0x0  }
0x3c: {  	s24 =	simm.s32 $0x1900;
	[sflag:s21] =	ssyncadd.s32 $0xFFFFE700  }
0x3d: {  	[tilespmem:s24], [sflag:$0x1] =	stream.indirect.gather [hbm4b:s4+s18], $0x40, s3, s18, $0xb8;
	[tilespmem:$0x15900] =	vst v63  }
0x3e: {  	s26 =	simm.s32 $0x3900  }
0x3f: {  	[tilespmem:s26], [sflag:$0x2] =	stream.indirect.gather [hbm4b:s4+s18], $0x40, s18, s18, $0xb8;
	[tilespmem:$0x15900] =	vst v63  }
0x40: {  	s29 =	simm.s32 $0x100;
	s31 =	simm.s32 $0x5900  }
0x41: {  	[tilespmem:s31], [sflag:$0x3] =	stream.indirect.gather [hbm4b:s4+s18], $0x40, s29, s18, $0xb8;
	[tilespmem:$0x15900] =	vst v63  }
0x42: {  	s24 =	simm.s32 $0x180;
	s26 =	simm.s32 $0x7900  }
0x43: {  	[tilespmem:s26], [sflag:$0x4] =	stream.indirect.gather [hbm4b:s4+s18], $0x40, s24, s18, $0xb8;
	[tilespmem:$0x15900] =	vst v63  }
0x44: {  	s29 =	simm.s32 $0x200;
	s31 =	simm.s32 $0x9900  }
0x45: {  	[tilespmem:s31], [sflag:$0x5] =	stream.indirect.gather [hbm4b:s4+s18], $0x40, s29, s18, $0xb8;
	[tilespmem:$0x15900] =	vst v63  }
0x46: {  	s24 =	simm.s32 $0x280;
	s26 =	simm.s32 $0xB900  }
0x47: {  	[tilespmem:s26], [sflag:$0x6] =	stream.indirect.gather [hbm4b:s4+s18], $0x40, s24, s18, $0xb8;
	[tilespmem:$0x15900] =	vst v63  }
0x48: {  	s29 =	simm.s32 $0x300;
	s31 =	simm.s32 $0xD900  }
0x49: {  	[tilespmem:s31], [sflag:$0x7] =	stream.indirect.gather [hbm4b:s4+s18], $0x40, s29, s18, $0xb8;
	[tilespmem:$0x15900] =	vst v63  }
0x4a: {  	s21 =	simm.s32 $0x380;
	s24 =	simm.s32 $0xF900  }
0x4b: {  	[tilespmem:s24], [sflag:$0x8] =	stream.indirect.gather [hbm4b:s4+s18], $0x40, s21, s18, $0xb8;
	[tilespmem:$0x15900] =	vst v63  }
0x4c: {  	s26 =	simm.s32 $0x400;
	s29 =	simm.s32 $0x11900  }
0x4d: {  	[tilespmem:s29], [sflag:$0x9] =	stream.indirect.gather [hbm4b:s4+s18], $0x40, s26, s18, $0xb8;
	[tilespmem:$0x15900] =	vst v63  }
0x4e: {  	s31 =	simm.s32 $0x480;
	s24 =	rddreg [dreg:$0x1];
	s26 =	simm.s32 $0x0  }
0x4f: {  	[tilespmem:s25], [sflag:$0xA] =	stream.indirect.gather [hbm4b:s4+s18], $0x40, s31, s18, $0xb8;
	[tilespmem:$0x15900] =	vst v63  }
.LBB2_2:
0x50: {  	_ =	swait.ge [sflag:s28], $0x2000  }
0x51: {  	s29 =	sadd.s32 s24, s16;
	[sflag:s28] =	ssyncset.done $0x0  }
0x52: {  	s0 =	simm.s32 $0x1900;
	p0 =	seq.s32 s26, $0x5000;
	[sflag:s28] =	ssyncadd.s32 $0xFFFFE000  }
0x53: {  	[hbm4b:s29+s3] =	stream.linear.scatter [tilespmem:s0], [sflag:$0xB], $0x2000, $0x38;
	[tilespmem:$0x15900] =	vst v63  }
0x54: {  	s29 =	simm.s32 @!p0 $0xB  }
0x55: {  	_ =	swait.ge @!p0 [sflag:s29], $0x2000  }
0x56: {  	[sflag:s29] =	ssyncset.done @!p0 $0x0  }
0x57: {  	[sflag:s29] =	ssyncadd.s32 @!p0 $0xFFFFE000;
	s29 =	sshra.s32 @!p0 s26, $0x2  }
0x58: {  	s31 =	simm.s32 @!p0 $0x80;
	s21 =	simm.s32 @!p0 $0x1900;
	s0 =	sadd.s32 @!p0 $0x500, s29  }
0x59: {  	[tilespmem:s21], [sflag:$0x1] =	stream.indirect.gather @!p0 [hbm4b:s4+s31], $0x40, s0, s31, $0xb8;
	[tilespmem:$0x15900] =	vst v63  }
0x5a: {  	_ =	swait.ge [sflag:s30], $0x2000  }
0x5b: {  	[sflag:s30] =	ssyncset.done $0x0  }
0x5c: {  	s0 =	sadd.s32 s24, s15;
	s21 =	simm.s32 $0x3900;
	[sflag:s30] =	ssyncadd.s32 $0xFFFFE000  }
0x5d: {  	[hbm4b:s0+s3] =	stream.linear.scatter [tilespmem:s21], [sflag:$0xC], $0x2000, $0x38;
	[tilespmem:$0x15900] =	vst v63  }
0x5e: {  	s0 =	simm.s32 @!p0 $0xC  }
0x5f: {  	_ =	swait.ge @!p0 [sflag:s0], $0x2000  }
0x60: {  	[sflag:s0] =	ssyncset.done @!p0 $0x0  }
0x61: {  	s21 =	simm.s32 @!p0 $0x3900;
	[sflag:s0] =	ssyncadd.s32 @!p0 $0xFFFFE000;
	s0 =	sadd.s32 @!p0 $0x580, s29  }
0x62: {  	[tilespmem:s21], [sflag:$0x2] =	stream.indirect.gather @!p0 [hbm4b:s4+s31], $0x40, s0, s31, $0xb8;
	[tilespmem:$0x15900] =	vst v63  }
0x63: {  	_ =	swait.ge [sflag:s1], $0x2000  }
0x64: {  	[sflag:s1] =	ssyncset.done $0x0  }
0x65: {  	s0 =	sadd.s32 s24, s14;
	s21 =	simm.s32 $0x5900;
	[sflag:s1] =	ssyncadd.s32 $0xFFFFE000  }
0x66: {  	[hbm4b:s0+s3] =	stream.linear.scatter [tilespmem:s21], [sflag:$0xD], $0x2000, $0x38;
	[tilespmem:$0x15900] =	vst v63  }
0x67: {  	s0 =	simm.s32 @!p0 $0xD  }
0x68: {  	_ =	swait.ge @!p0 [sflag:s0], $0x2000  }
0x69: {  	[sflag:s0] =	ssyncset.done @!p0 $0x0  }
0x6a: {  	s21 =	simm.s32 @!p0 $0x5900;
	[sflag:s0] =	ssyncadd.s32 @!p0 $0xFFFFE000;
	s0 =	sadd.s32 @!p0 $0x600, s29  }
0x6b: {  	[tilespmem:s21], [sflag:$0x3] =	stream.indirect.gather @!p0 [hbm4b:s4+s31], $0x40, s0, s31, $0xb8;
	[tilespmem:$0x15900] =	vst v63  }
0x6c: {  	_ =	swait.ge [sflag:s2], $0x2000  }
0x6d: {  	[sflag:s2] =	ssyncset.done $0x0  }
0x6e: {  	s0 =	sadd.s32 s24, s13;
	s21 =	simm.s32 $0x7900;
	[sflag:s2] =	ssyncadd.s32 $0xFFFFE000  }
0x6f: {  	[hbm4b:s0+s3] =	stream.linear.scatter [tilespmem:s21], [sflag:$0xE], $0x2000, $0x38;
	[tilespmem:$0x15900] =	vst v63  }
0x70: {  	s0 =	simm.s32 @!p0 $0xE  }
0x71: {  	_ =	swait.ge @!p0 [sflag:s0], $0x2000  }
0x72: {  	[sflag:s0] =	ssyncset.done @!p0 $0x0  }
0x73: {  	s21 =	simm.s32 @!p0 $0x7900;
	[sflag:s0] =	ssyncadd.s32 @!p0 $0xFFFFE000;
	s0 =	sadd.s32 @!p0 $0x680, s29  }
0x74: {  	[tilespmem:s21], [sflag:$0x4] =	stream.indirect.gather @!p0 [hbm4b:s4+s31], $0x40, s0, s31, $0xb8;
	[tilespmem:$0x15900] =	vst v63  }
0x75: {  	_ =	swait.ge [sflag:s23], $0x2000  }
0x76: {  	[sflag:s23] =	ssyncset.done $0x0  }
0x77: {  	s0 =	sadd.s32 s24, s12;
	s21 =	simm.s32 $0x9900;
	[sflag:s23] =	ssyncadd.s32 $0xFFFFE000  }
0x78: {  	[hbm4b:s0+s3] =	stream.linear.scatter [tilespmem:s21], [sflag:$0xF], $0x2000, $0x38;
	[tilespmem:$0x15900] =	vst v63  }
0x79: {  	s0 =	simm.s32 @!p0 $0xF  }
0x7a: {  	_ =	swait.ge @!p0 [sflag:s0], $0x2000  }
0x7b: {  	[sflag:s0] =	ssyncset.done @!p0 $0x0  }
0x7c: {  	s21 =	simm.s32 @!p0 $0x9900;
	[sflag:s0] =	ssyncadd.s32 @!p0 $0xFFFFE000;
	s0 =	sadd.s32 @!p0 $0x700, s29  }
0x7d: {  	[tilespmem:s21], [sflag:$0x5] =	stream.indirect.gather @!p0 [hbm4b:s4+s31], $0x40, s0, s31, $0xb8;
	[tilespmem:$0x15900] =	vst v63  }
0x7e: {  	_ =	swait.ge [sflag:s5], $0x2000  }
0x7f: {  	[sflag:s5] =	ssyncset.done $0x0  }
0x80: {  	s0 =	sadd.s32 s24, s11;
	s21 =	simm.s32 $0xB900;
	[sflag:s5] =	ssyncadd.s32 $0xFFFFE000  }
0x81: {  	[hbm4b:s0+s3] =	stream.linear.scatter [tilespmem:s21], [sflag:$0x10], $0x2000, $0x38;
	[tilespmem:$0x15900] =	vst v63  }
0x82: {  	s0 =	simm.s32 @!p0 $0x10  }
0x83: {  	_ =	swait.ge @!p0 [sflag:s0], $0x2000  }
0x84: {  	[sflag:s0] =	ssyncset.done @!p0 $0x0  }
0x85: {  	s21 =	simm.s32 @!p0 $0xB900;
	[sflag:s0] =	ssyncadd.s32 @!p0 $0xFFFFE000;
	s0 =	sadd.s32 @!p0 $0x780, s29  }
0x86: {  	[tilespmem:s21], [sflag:$0x6] =	stream.indirect.gather @!p0 [hbm4b:s4+s31], $0x40, s0, s31, $0xb8;
	[tilespmem:$0x15900] =	vst v63  }
0x87: {  	_ =	swait.ge [sflag:s6], $0x2000  }
0x88: {  	[sflag:s6] =	ssyncset.done $0x0  }
0x89: {  	s0 =	sadd.s32 s24, s10;
	s21 =	simm.s32 $0xD900;
	[sflag:s6] =	ssyncadd.s32 $0xFFFFE000  }
0x8a: {  	[hbm4b:s0+s3] =	stream.linear.scatter [tilespmem:s21], [sflag:$0x11], $0x2000, $0x38;
	[tilespmem:$0x15900] =	vst v63  }
0x8b: {  	s0 =	simm.s32 @!p0 $0x11  }
0x8c: {  	_ =	swait.ge @!p0 [sflag:s0], $0x2000  }
0x8d: {  	[sflag:s0] =	ssyncset.done @!p0 $0x0  }
0x8e: {  	s21 =	simm.s32 @!p0 $0xD900;
	[sflag:s0] =	ssyncadd.s32 @!p0 $0xFFFFE000;
	s0 =	sadd.s32 @!p0 $0x800, s29  }
0x8f: {  	[tilespmem:s21], [sflag:$0x7] =	stream.indirect.gather @!p0 [hbm4b:s4+s31], $0x40, s0, s31, $0xb8;
	[tilespmem:$0x15900] =	vst v63  }
0x90: {  	_ =	swait.ge [sflag:s17], $0x2000  }
0x91: {  	[sflag:s17] =	ssyncset.done $0x0  }
0x92: {  	s0 =	sadd.s32 s24, s9;
	s21 =	simm.s32 $0xF900;
	[sflag:s17] =	ssyncadd.s32 $0xFFFFE000  }
0x93: {  	[hbm4b:s0+s3] =	stream.linear.scatter [tilespmem:s21], [sflag:$0x12], $0x2000, $0x38;
	[tilespmem:$0x15900] =	vst v63  }
0x94: {  	s0 =	simm.s32 @!p0 $0x12  }
0x95: {  	_ =	swait.ge @!p0 [sflag:s0], $0x2000  }
0x96: {  	[sflag:s0] =	ssyncset.done @!p0 $0x0  }
0x97: {  	s21 =	simm.s32 @!p0 $0xF900;
	[sflag:s0] =	ssyncadd.s32 @!p0 $0xFFFFE000;
	s0 =	sadd.s32 @!p0 $0x880, s29  }
0x98: {  	[tilespmem:s21], [sflag:$0x8] =	stream.indirect.gather @!p0 [hbm4b:s4+s31], $0x40, s0, s31, $0xb8;
	[tilespmem:$0x15900] =	vst v63  }
0x99: {  	_ =	swait.ge [sflag:s19], $0x2000  }
0x9a: {  	[sflag:s19] =	ssyncset.done $0x0  }
0x9b: {  	s0 =	sadd.s32 s24, s8;
	s21 =	simm.s32 $0x11900;
	[sflag:s19] =	ssyncadd.s32 $0xFFFFE000  }
0x9c: {  	[hbm4b:s0+s3] =	stream.linear.scatter [tilespmem:s21], [sflag:$0x13], $0x2000, $0x38;
	[tilespmem:$0x15900] =	vst v63  }
0x9d: {  	s0 =	simm.s32 @!p0 $0x13  }
0x9e: {  	_ =	swait.ge @!p0 [sflag:s0], $0x2000  }
0x9f: {  	[sflag:s0] =	ssyncset.done @!p0 $0x0  }
0xa0: {  	s21 =	simm.s32 @!p0 $0x11900;
	[sflag:s0] =	ssyncadd.s32 @!p0 $0xFFFFE000;
	s0 =	sadd.s32 @!p0 $0x900, s29  }
0xa1: {  	[tilespmem:s21], [sflag:$0x9] =	stream.indirect.gather @!p0 [hbm4b:s4+s31], $0x40, s0, s31, $0xb8;
	[tilespmem:$0x15900] =	vst v63  }
.Ltmp2:
0xa2: {  	_ = 	snop;
	(pc) =	sbr.rel @p0 .LBB2_4-.Ltmp2, $4  }
0xa3: {  	_ =	swait.ge [sflag:s20], $0x2000  }
0xa4: {  	[sflag:s20] =	ssyncset.done $0x0  }
0xa5: {  	s31 =	sadd.s32 s24, s7;
	[sflag:s20] =	ssyncadd.s32 $0xFFFFE000  }
0xa6: {  	[hbm4b:s31+s3] =	stream.linear.scatter [tilespmem:s25], [sflag:$0x14], $0x2000, $0x38;
	[tilespmem:$0x15900] =	vst v63  }
.Ltmp3:
0xa7: {  	(pc) =	sbr.rel .LBB2_2-.Ltmp3, $4  }
0xa8: {  	_ =	swait.ge [sflag:s22], $0x2000  }
0xa9: {  	s0 =	sshra.s32 s26, $0x2;
	s26 =	sadd.s32 $0x1400, s26;
	[sflag:s22] =	ssyncset.done $0x0  }
0xaa: {  	s24 =	sadd.s32 $0x2800, s24;
	s0 =	sadd.s32 $0x980, s0;
	[sflag:s22] =	ssyncadd.s32 $0xFFFFE000  }
0xab: {  	[tilespmem:s25], [sflag:$0xA] =	stream.indirect.gather [hbm4b:s4+s18], $0x40, s0, s18, $0xb8;
	[tilespmem:$0x15900] =	vst v63  }
.LBB2_5:
0xac: {  	_ =	sfence.sel $0x180000  }
0xad: {  	[bflag:$0x0] =	sbarrier.arrive $0xFFFF  }
0xae: {  	_ =	strace $0x90000047  }
0xaf: {  	s0 =	stileid.u32;
	[bflag:$0x2] =	sbarrier.arrive $0xFFFF  }
0xb0: {  	p0 =	sne.s32 s0, $0x0;
	s0 =	rddreg [dreg:$0x2]  }
0xb1: {  	s0 =	sadd.s32 @!p0 $0x100000, s0  }
0xb2: {  	[sflag:s0] =	ssyncadd.tile.s32 @!p0 $0x1;
	_ =	shalt  }
.Lfunc_end2:
_tile_overlayer_lowered:
.L_overlay_start_2:
0xb3: {  	(tag) =	ssettag $0x2  }
0xb4: {  	s0 =	rddreg [dreg:$0x0];
	s2 =	stileid.u32  }
0xb5: {  	s1 =	rddreg [dreg:$0x1];
	p0 =	sne.s32 s2, $0x0  }
0xb6: {  	s3 =	rddreg [dreg:$0x2];
	[bflag:$0x3] =	sbarrier.arrive $0xFFFF;
	s2 =	simm.s32 @!p0 $0x1C15  }
0xb7: {  	[timem:s3], [sflag:s2] =	dma.local @!p0 [hbm:s0], s1  }
0xb8: {  	s0 =	simm.s32 @!p0 $0x15  }
0xb9: {  	_ =	swait.ge @!p0 [sflag:s0], s1  }
0xba: {  	s1 =	ssub.s32 @!p0 $0x0, s1;
	[sflag:s0] =	ssyncset.done @!p0 $0x0  }
0xbb: {  	[sflag:s0] =	ssyncadd.s32 @!p0 s1  }
0xbc: {  	[bflag:$0x3] =	sbarrier.arrive $0xFFFF  }
0xbd: {  	_ =	shalt  }

// kernel: sparse-core-data-format-call.cloned.1.call-start
scs
called_computation_lowered:
.L_overlay_start_0:
0x0: {  	s2 =	sld [smem:$0x3FD9]  }
0x1: {  	s3 =	sld [smem:$0x3FFE];
	_ =	sdelay $0x1  }
0x2: {  	s1 =	srdreg.scid  }
0x3: {  	s0 =	sand.u32 $0x1, s1  }
0x4: {  	s18 =	sshll.u32 s0, $0xA;
	s2 =	sadd.s32 s3, s2  }
0x5: {  	s2 =	sadd.s32 s2, s18  }
0x6: {  	[smem:$0x3FC6] =	sst s2  }
0x7: {  	_ = 	snop  }
0x8: {  	s2 =	sld [smem:$0x3FD0];
	(tm) =	ssettm $0x1  }
0x9: {  	s19 =	sld [smem:$0x3FFB];
	_ =	sdelay $0x3  }
0xa: {  	_ =	strace s19  }
0xb: {  	s3 =	sld [smem:$0x3FFC];
	_ =	sdelay $0x3  }
0xc: {  	_ =	strace s3  }
0xd: {  	s3 =	sld [smem:$0x3FFD];
	_ =	sdelay $0x3  }
0xe: {  	_ =	strace s3  }
0xf: {  	_ =	strace $0x8FFFFFFF  }
0x10: {  	s20 =	sld [smem:$0x3FDB];
	_ =	sdelay $0x1  }
0x11: {  	s4 =	simm.s32 $_scs_section_size  }
0x12: {  	s5 =	simm.s32 $_size__tile_overlayer_lowered;
	s6 =	simm.s32 $_tile_overlayer_lowered  }
0x13: {  	s23 =	simm.s32 $0x1BFF;
	s22 =	sshll.u32 s6, $0x1;
	s3 =	sadd.s32 s4, s20  }
0x14: {  	s7 =	simm.s32 $0x0;
	s21 =	sshll.u32 s5, $0x1;
	s5 =	sadd.s32 s22, s3  }
0x15: {  	[timem:s7], [sflag:s23] =	dma.local [hbm:s5], s21  }
0x16: {  	_ =	swait.ge [sflag:s23], s21  }
0x17: {  	s4 =	ssub.s32 $0x0, s21;
	[sflag:s23] =	ssyncset.done $0x0  }
0x18: {  	[sflag:s23] =	ssyncadd.s32 s4;
	_ =	sdelay $0x1  }
0x19: {  	s24 =	simm.s32 $0x1B8B  }
0x1a: {  	_ =	swait.ge [sflag:s24], $0x1  }
0x1b: {  	[sflag:s24] =	ssyncset.done $0x0  }
0x1c: {  	s26 =	simm.s32 $0x1B8E;
	s25 =	sld [smem:$0x3FFE];
	[sflag:s24] =	ssyncadd.s32 $0xFFFFFFFF  }
0x1d: {  	s27 =	simm.s32 $execute0_lowered;
	[smem:$0x3FD2] =	sst s26  }
0x1e: {  	s5 =	sshll.u32 s27, $0x1;
	_ =	strace $0x80000049;
	[dreg:$0x1] =	wrdreg $0xFFFFFFFF  }
0x1f: {  	s28 =	simm.s32 $_size_execute0_lowered;
	s3 =	sadd.s32 s3, s5;
	[dreg:$0x0] =	wrdreg $0x0  }
0x20: {  	s5 =	sshll.u32 s28, $0x1;
	[dreg:$0x2] =	wrdreg s3  }
0x21: {  	[dreg:$0x3] =	wrdreg s5  }
0x22: {  	[dreg:$0x4] =	wrdreg $0xC0  }
0x23: {  	_ =	task [dreg:s7], $0x5FFFF  }
0x24: {  	[dreg:$0x1] =	wrdreg $0xFFFFFFFF  }
0x25: {  	[dreg:$0x0] =	wrdreg $0x60  }
0x26: {  	[dreg:$0x2] =	wrdreg s25  }
0x27: {  	[dreg:$0x3] =	wrdreg s2  }
0x28: {  	[dreg:$0x4] =	wrdreg $0x9  }
0x29: {  	_ =	task.clear_ibuf [dreg:s7], $0x5FFFF;
	_ =	strace $0x90000049  }
0x2a: {  	s29 =	simm.s32 $0x9;
	_ =	strace $0x8000004B  }
0x2b: {  	_ =	swait.ge [sflag:s29], $0x1  }
0x2c: {  	[sflag:s29] =	ssyncadd.s32 $0xFFFFFFFF  }
0x2d: {  	_ =	strace $0x9000004B  }
0x2e: {  	_ =	sfence  }
0x2f: {  	s30 =	sld [smem:$0x0];
	_ =	sdelay $0x2  }
0x30: {  	s31 =	sshll.u32 s1, $0xD;
	s1 =	sshrl.u32 s1, $0x2  }
0x31: {  	s3 =	sand.u32 $0x4000, s31;
	s1 =	sadd.s32 s1, s30  }
0x32: {  	s0 =	sor.u32 s3, s0;
	s1 =	sshll.u32 s1, $0x11  }
0x33: {  	s0 =	sor.u32 s1, s0  }
0x34: {  	s0 =	sadd.s32 $0x8F2B, s0  }
0x35: {  	[sflag:s0] =	ssyncadd.remote.s32 $0x1  }
0x36: {  	_ =	sfence.sel $0xFFFF  }
0x37: {  	[dreg:$0x0] =	wrdreg $0xFFFFFFFF;
	(pc) =	sbr.abs _section_cstart, $3  }
0x38: {  	[dreg:$0x1] =	wrdreg $0xFFFFFFFF  }
0x39: {  	_ =	task.clear_ibuf [dreg:s7], $0x2FFFF;
	_ =	strace $0x9FFFFFFF  }
0x3a: {  	(tm) =	ssettm $0x7FFFFFFF  }
0x3b: {  	_ =	shalt  }
tec
execute0_lowered:
.L_overlay_start_1:
0x0: {  	(tag) =	ssettag $0x1  }
0x1: {  	s0 =	srdreg.scid  }
0x2: {  	s1 =	sshll.u32 s0, $0x4  }
0x3: {  	s0 =	stileid.u32;
	s1 =	sand.u32 $0x10, s1  }
0x4: {  	s1 =	sor.u32 s0, s1  }
0x5: {  	s6 =	rddreg [dreg:$0x0];
	s4 =	simm.s32 $0x1;
	s2 =	sshll.u32 s1, $0x7  }
0x6: {  	s7 =	simm.s32 $0x2;
	s12 =	simm.s32 $0x0;
	s1 =	ssub.s32 $0x1000, s2  }
0x7: {  	s8 =	simm.s32 $0x8000;
	s13 =	simm.s32 $0x0;
	s3 =	sand.u32 $0xF80, s1  }
0x8: {  	s9 =	simm.s32 $0x0;
	s5 =	sshrl.u32 s1, $0xC;
	p0 =	sne.s32 s3, $0x0  }
.Ltmp0:
0x9: {  	s1 =	rddreg [dreg:$0x2];
	s4 =	simm.s32 @!p0 $0x0;
	(pc) =	sbr.rel .LBB1_1-.Ltmp0, $4  }
0xa: {  	s11 =	simm.s32 $0x0;
	s3 =	rddreg [dreg:$0x1];
	s5 =	sadd.s32 s4, s5  }
0xb: {  	_ =	strace $0x8000004A;
	s4 =	simm.s32 $0x1;
	s5 =	smul.u32 $0x32, s5  }
0xc: {  	s6 =	sadd.s32 $0xA00, s6;
	s10 =	smov.u32 s2;
	[sflag:s4] =	ssyncpa.u1 $0x0  }
0xd: {  	p0 =	por $0x0, $0x0;
	[sflag:s7] =	ssyncpa.u1 $0x0;
	s7 =	sor.u32 $0x1, s5  }
.LBB1_4:
0xe: {  	s16 =	sshll.u32 s13, $0x3;
	s17 =	sand.u32 $0x78, s13  }
0xf: {  	s30 =	sand.u32 $0x7E00, s13;
	s12 =	sshll.u32 s12, $0xF;
	s16 =	sand.u32 $0xC00, s16  }
0x10: {  	[tilespmem:s15+$0x810 ss:$0x81] =	vst.msk $0xffff, v2;
	s31 =	sand.u32 $0x7, s13;
	s16 =	sor.u32 s17, s16;
	s17 =	sadd.s32 s3, s30  }
0x11: {  	[tilespmem:s15+$0x1020 ss:$0x81] =	vst.msk $0xffff, v0;
	s13 =	sshll.u32 s31, $0x12;
	s12 =	sadd.s32 s12, s17;
	s16 =	sshrl.u32 s16, $0x3  }
0x12: {  	[tilespmem:s15+$0x0 ss:$0x81] =	vst.msk $0xffff, v1;
	s13 =	sor.u32 $0x400, s13;
	s12 =	sadd.s32 s16, s12  }
0x13: {  	[hbm4b:s12+s13] =	stream.strided.scatter [tilespmem:s14], [sflag:$0x2], $0x2000, s8, s13, $0x20;
	[tilespmem:$0x8080] =	vst v63  }
.LBB1_5:
0x14: {  	s14 =	sadd.s32 $0x1, s9  }
0x15: {  	s12 =	sadd.s32 $0x1000, s10;
	s16 =	smov.u32 s10;
	p2 =	sgt.s32 s14, $0x31  }
0x16: {  	s16 =	smov.u32 @p2 s12  }
0x17: {  	s14 =	simm.s32 @p2 $0x0;
	p2 =	sgt.s32 s16, $0xFFF  }
0x18: {  	s16 =	smov.u32 @p2 s2;
	p2 =	sne.s32 s11, s7  }
.Ltmp1:
0x19: {  	p1 =	slt.u32 s11, $0x2;
	(pc) =	sbr.rel @!p2 .LBB1_6-.Ltmp1, $4  }
0x1a: {  	s15 =	simm.s32 @!p1 $0x2  }
0x1b: {  	s13 =	smov.u32 s10;
	p0 =	por !p0, !p0;
	_ =	swait.ge @!p1 [sflag:s15], $0x2000  }
0x1c: {  	s12 =	smov.u32 s9;
	[sflag:s15] =	ssyncset.done @!p1 $0x0;
	s9 =	smov.u32 s14  }
0x1d: {  	s11 =	sadd.s32 $0x1, s11;
	[sflag:s15] =	ssyncadd.s32 @!p1 $0xFFFFE000;
	s10 =	smov.u32 s16  }
.LBB1_1:
0x1e: {  	p1 =	sge.u32 s11, s5  }
0x1f: {  	s14 =	sand.u32 @!p1 $0x1FFFFFF, s9  }
0x20: {  	s15 =	smulhi.u32 @!p1 $0x4924925, s14;
	_ =	sdelay $0x1  }
0x21: {  	s15 =	smul.u32 @!p1 $0x38, s15  }
0x22: {  	s16 =	sxor.u32 @!p1 $0xFFFFFFFF, s11;
	s17 =	smul.u32 @!p1 $0x380, s10  }
0x23: {  	s31 =	sadd.s32 $0xFFFFFFFF, s11;
	s16 =	sshll.u32 @!p1 s16, $0xD;
	s14 =	ssub.s32 @!p1 s14, s15  }
0x24: {  	s15 =	sand.u32 @!p1 $0x2000, s16;
	s16 =	sadd.s32 @!p1 s6, s17;
	s14 =	sshll.u32 @!p1 s14, $0x4  }
0x25: {  	s17 =	simm.s32 @!p1 $0x1C00;
	s14 =	sadd.s32 @!p1 s14, s16;
	s16 =	simm.s32 @!p1 $0x40  }
0x26: {  	[tilespmem:s15], [sflag:$0x1] =	stream.strided.gather @!p1 [hbm4b:s14+s16], $0x2000, s17, s16, $0x38;
	[tilespmem:$0x8080] =	vst v63  }
0x27: {  	p1 =	sge.u32 s31, s5  }
.Ltmp2:
0x28: {  	_ = 	snop;
	(pc) =	sbr.rel @p1 .LBB1_5-.Ltmp2, $1  }
0x29: {  	_ =	sdelay $0x3  }
0x2a: {  	s14 =	simm.s32 $0x1  }
0x2b: {  	_ =	swait.ge [sflag:s4], $0x2000;
	s14 =	simm.s32 @!p0 $0x0  }
0x2c: {  	[sflag:s4] =	ssyncset.done $0x0;
	s15 =	sshll.u32 s14, $0xD  }
0x2d: {  	[sflag:s4] =	ssyncadd.s32 $0xFFFFE000;
	s18 =	sor.u32 $0x20, s15  }
0x2e: {  	s14 =	smul.u32 $0x8100, s14;
	v3 =	vld [tilespmem:s18+$0x10]  }
0x2f: {  	s30 =	sand.u32 $0x1, s11;
	v2 =	vld [tilespmem:s18+$0xFFFFFFF0]  }
0x30: {  	s15 =	smul.u32 $0x8100, s30;
	s14 =	sshrl.u32 s14, $0x2;
	v0 =	vld [tilespmem:s18+$0x0]  }
0x31: {  	v1 =	vld [tilespmem:s18+$0xFFFFFFE0];
	s16 =	sor.u32 $0x4000, s14  }
0x32: {  	s31 =	sshrl.u32 s15, $0x2;
	s15 =	sadd.s32 $0x0, s16  }
0x33: {  	s17 =	simm.s32 $0x4;
	s18 =	sadd.s32 $0x40, s18;
	s14 =	sor.u32 $0x4000, s31;
	[tilespmem:s15+$0x1830 ss:$0x81] =	vst.msk $0xffff, v3  }
.LBB1_3:
0x34: {  	v3 =	vld [tilespmem:s18+$0x10];
	p1 =	sne.s32 s17, $0x1FC;
	[tilespmem:s15+$0x810 ss:$0x81] =	vst.msk $0xffff, v2;
	s19 =	smov.u32 s17;
	s17 =	sadd.s32 $0x4, s17  }
.Ltmp3:
0x35: {  	v2 =	vld [tilespmem:s18+$0xFFFFFFF0];
	[tilespmem:s15+$0x1020 ss:$0x81] =	vst.msk $0xffff, v0;
	(pc) =	sbr.rel @p1 .LBB1_3-.Ltmp3, $4  }
0x36: {  	v0 =	vld [tilespmem:s18+$0x0];
	[tilespmem:s15+$0x0 ss:$0x81] =	vst.msk $0xffff, v1  }
0x37: {  	s15 =	sshra.s32 s19, $0x2;
	v1 =	vld [tilespmem:s18+$0xFFFFFFE0]  }
0x38: {  	s15 =	sadd.s32 s15, s16  }
0x39: {  	s18 =	sadd.s32 $0x40, s18;
	[tilespmem:s15+$0x1830 ss:$0x81] =	vst.msk $0xffff, v3  }
.Ltmp4:
0x3a: {  	_ = 	snop;
	(pc) =	sbr.rel .LBB1_4-.Ltmp4, $1  }
0x3b: {  	_ =	sdelay $0x3  }
.LBB1_6:
0x3c: {  	_ =	sfence.sel $0x180000  }
0x3d: {  	s2 =	simm.s32 $0x1;
	[bflag:$0x0] =	sbarrier.arrive $0xFFFF  }
0x3e: {  	s31 =	simm.s32 $0x2;
	[sflag:s2] =	ssyncpa.u1 $0x1  }
0x3f: {  	[sflag:s31] =	ssyncpa.u1 $0x1  }
0x40: {  	p0 =	sne.s32 s0, $0x0;
	_ =	strace $0x9000004A  }
0x41: {  	s0 =	sadd.s32 @!p0 $0x100000, s1;
	[bflag:$0x2] =	sbarrier.arrive $0xFFFF  }
0x42: {  	[sflag:s0] =	ssyncadd.tile.s32 @!p0 $0x1;
	_ =	shalt  }
.Lfunc_end1:
_tile_overlayer_lowered:
.L_overlay_start_2:
0x43: {  	(tag) =	ssettag $0x2  }
0x44: {  	s0 =	rddreg [dreg:$0x0];
	s2 =	stileid.u32  }
0x45: {  	s1 =	rddreg [dreg:$0x1];
	p0 =	sne.s32 s2, $0x0  }
0x46: {  	s3 =	rddreg [dreg:$0x2];
	[bflag:$0x3] =	sbarrier.arrive $0xFFFF;
	s2 =	simm.s32 @!p0 $0x1C01  }
0x47: {  	[timem:s3], [sflag:s2] =	dma.local @!p0 [hbm:s0], s1  }
0x48: {  	s0 =	simm.s32 @!p0 $0x1  }
0x49: {  	_ =	swait.ge @!p0 [sflag:s0], s1  }
0x4a: {  	s1 =	ssub.s32 @!p0 $0x0, s1;
	[sflag:s0] =	ssyncset.done @!p0 $0x0  }
0x4b: {  	[sflag:s0] =	ssyncadd.s32 @!p0 s1  }
0x4c: {  	[bflag:$0x3] =	sbarrier.arrive $0xFFFF  }
0x4d: {  	_ =	shalt  }

</sc_bundles>
